<compile_context>
chip_gen: v7x
topology: tpu7x:2x2x1
jax: 0.10.2.dev20260603
libtpu: 0.0.44.dev20260713+nightly
codegen_flags: <defaults>
</compile_context>

<pallas_src>
import functools

import jax
import jax.numpy as jnp
from jax import lax
from jax.experimental import pallas as pl
from jax.experimental.pallas import tpu as pltpu
from jax.experimental.pallas import tpu_sc as plsc

N, B, WIDTH = 100000, 1024, 128
G, HIN, WS = 8, 16, 2
HOUT = HIN * WS

NC, NS = 2, 16
NW = NC * NS
CH = 128
NFULL = N // CH
TAIL = N - NFULL * CH
KMAX = (NFULL + NW - 1) // NW
ROWS_PER_SUB = B // NS

SCH = 256
NBUF = 3

TCBLK = 1024
N_SC = 78 * TCBLK
TCNB = (N - N_SC + TCBLK - 1) // TCBLK
SNFULL = N_SC // SCH
SKMAX = (SNFULL + NW - 1) // NW


def _sc_mesh():
    return plsc.VectorSubcoreMesh(core_axis_name="c", subcore_axis_name="s")


def _sc_scatter(x, batch):

    @functools.partial(
        pl.kernel,
        out_type=jax.ShapeDtypeStruct((NC, B, WIDTH), jnp.float32),
        mesh=_sc_mesh(),
        scratch_types=[
            pltpu.VMEM((2 * NBUF, CH), jnp.int32),
            pltpu.VMEM((NBUF, SCH, WIDTH), jnp.float32),
            pltpu.VMEM((8, WIDTH), jnp.float32),
            pltpu.VMEM_SHARED((B, WIDTH), jnp.float32),
            pltpu.SemaphoreType.DMA,
            pltpu.SemaphoreType.DMA,
            pltpu.SemaphoreType.DMA,
            pltpu.SemaphoreType.DMA,
        ],
    )
    def k(x_hbm, batch_hbm, part_hbm, idxb, rowsb, zbuf, acc_sh, isem, rsem,
          asem, zsem):
        cid = lax.axis_index("c")
        sid = lax.axis_index("s")
        wid = sid * NC + cid

        def issue_loads(c, b):
            base = pl.multiple_of(c * SCH, SCH)
            for j in range(SCH // CH):
                pltpu.async_copy(batch_hbm.at[pl.ds(base + j * CH, CH)],
                                 idxb.at[2 * b + j], isem)
            pltpu.async_copy(x_hbm.at[pl.ds(base, SCH)], rowsb.at[b], rsem)

        def wait_loads(c, b):
            base = pl.multiple_of(c * SCH, SCH)
            for j in range(SCH // CH):
                pltpu.make_async_copy(batch_hbm.at[pl.ds(base + j * CH, CH)],
                                      idxb.at[2 * b + j], isem).wait()
            pltpu.make_async_copy(x_hbm.at[pl.ds(base, SCH)], rowsb.at[b],
                                  rsem).wait()

        def wait_one_add(b):
            pltpu.make_async_copy(rowsb.at[b, pl.ds(0, CH)],
                                  acc_sh.at[idxb.at[2 * b]], asem).wait()

        issue_loads(jnp.int32(wid), 0)
        issue_loads(jnp.int32(wid + NW), 1)

        z16 = jnp.zeros((16,), jnp.float32)
        for r in range(8):
            for c8 in range(WIDTH // 16):
                zbuf[r, pl.ds(c8 * 16, 16)] = z16
        for t in range(ROWS_PER_SUB // 8):
            pltpu.async_copy(zbuf, acc_sh.at[pl.ds(sid * ROWS_PER_SUB + t * 8, 8)],
                             zsem)
        for t in range(ROWS_PER_SUB // 8):
            pltpu.make_async_copy(
                zbuf, acc_sh.at[pl.ds(sid * ROWS_PER_SUB + t * 8, 8)],
                zsem).wait()
        plsc.subcore_barrier()

        def chunk_body(kk, carry):
            c = wid + kk * NW
            b0 = lax.rem(kk, NBUF)

            @pl.when(c < SNFULL)
            def _():
                wait_loads(c, b0)
                @pl.when(kk >= 1)
                def _():
                    bp = lax.rem(kk + NBUF - 1, NBUF)
                    for j in range(SCH // CH):
                        wait_one_add(bp)
                for j in range(SCH // CH):
                    pltpu.async_copy(rowsb.at[b0, pl.ds(j * CH, CH)],
                                     acc_sh.at[idxb.at[2 * b0 + j]], asem,
                                     add=True)
                cpre = c + 2 * NW

                @pl.when(cpre < SNFULL)
                def _():
                    issue_loads(cpre, lax.rem(kk + 2, NBUF))

            return carry

        lax.fori_loop(0, SKMAX, chunk_body, 0)
        for j in range(SCH // CH):
            wait_one_add(0)

        plsc.subcore_barrier()
        pltpu.sync_copy(
            acc_sh.at[pl.ds(sid * ROWS_PER_SUB, ROWS_PER_SUB)],
            part_hbm.at[cid, pl.ds(sid * ROWS_PER_SUB, ROWS_PER_SUB)],
        )

    return k(x, batch)


def _sc_gather(xx, batch):

    @functools.partial(
        pl.kernel,
        out_type=jax.ShapeDtypeStruct((N, WIDTH), jnp.float32),
        mesh=_sc_mesh(),
        scratch_types=[
            pltpu.VMEM((2, CH), jnp.int32),
            pltpu.VMEM((2, CH, WIDTH), jnp.float32),
            pltpu.VMEM((TAIL,), jnp.int32),
            pltpu.VMEM((TAIL, WIDTH), jnp.float32),
            pltpu.VMEM_SHARED((B, WIDTH), jnp.float32),
            pltpu.SemaphoreType.DMA,
            pltpu.SemaphoreType.DMA,
            pltpu.SemaphoreType.DMA,
        ],
    )
    def k(xx_hbm, batch_hbm, out_hbm, idx2, rows2, idx_t, rows_t, xx_sh,
          isem, gsem, wsem):
        cid = lax.axis_index("c")
        sid = lax.axis_index("s")
        wid = sid * NC + cid

        base0 = pl.multiple_of(wid * CH, CH)
        pltpu.async_copy(batch_hbm.at[pl.ds(base0, CH)], idx2.at[0], isem)

        pltpu.sync_copy(
            xx_hbm.at[pl.ds(sid * ROWS_PER_SUB, ROWS_PER_SUB)],
            xx_sh.at[pl.ds(sid * ROWS_PER_SUB, ROWS_PER_SUB)],
        )
        plsc.subcore_barrier()

        def chunk_body(kk, carry):
            c = wid + kk * NW
            cn = c + NW
            b0 = lax.rem(kk, 2)
            b1 = lax.rem(kk + 1, 2)

            @pl.when(cn < NFULL)
            def _():
                basen = pl.multiple_of(cn * CH, CH)
                pltpu.async_copy(batch_hbm.at[pl.ds(basen, CH)], idx2.at[b1], isem)

            @pl.when(c < NFULL)
            def _():
                base = pl.multiple_of(c * CH, CH)
                @pl.when(kk >= 2)
                def _():
                    pltpu.make_async_copy(rows2.at[b0],
                                          out_hbm.at[pl.ds(base, CH)],
                                          wsem).wait()

                pltpu.make_async_copy(batch_hbm.at[pl.ds(base, CH)], idx2.at[b0],
                                      isem).wait()
                pltpu.async_copy(xx_sh.at[idx2.at[b0]], rows2.at[b0], gsem).wait()
                pltpu.async_copy(rows2.at[b0], out_hbm.at[pl.ds(base, CH)], wsem)

            return carry

        lax.fori_loop(0, KMAX, chunk_body, 0)

        for _ in range(2):
            pltpu.make_async_copy(rows2.at[0], out_hbm.at[pl.ds(0, CH)],
                                  wsem).wait()

        @pl.when(wid == NW - 1)
        def _():
            pltpu.sync_copy(batch_hbm.at[pl.ds(NFULL * CH, TAIL)], idx_t)
            pltpu.async_copy(xx_sh.at[idx_t], rows_t, gsem).wait()
            pltpu.sync_copy(rows_t, out_hbm.at[pl.ds(NFULL * CH, TAIL)])

    return k(xx, batch)


def _tc_scatter_body(ids_ref, x_ref, out_ref):
    k = pl.program_id(0)

    @pl.when(k == 0)
    def _():
        out_ref[...] = jnp.zeros_like(out_ref)

    base = (N_SC // TCBLK + k) * TCBLK
    ids = ids_ref[0, 0, :]
    rows = lax.broadcasted_iota(jnp.int32, (TCBLK, WIDTH), 0) + base
    xblk = jnp.where(rows < N, x_ref[...], 0.0)
    segs = lax.broadcasted_iota(jnp.int32, (B, TCBLK), 0)
    onehot = jnp.where(segs == ids[None, :], 1.0, 0.0)
    out_ref[...] += jnp.dot(onehot, xblk, preferred_element_type=jnp.float32)


def _tc_scatter(x, batch):
    npad = TCNB * TCBLK + N_SC - N
    batch_pad = jnp.concatenate(
        [batch, jnp.zeros((npad,), jnp.int32)]).reshape(-1, 1, TCBLK)
    return pl.pallas_call(
        _tc_scatter_body,
        grid=(TCNB,),
        in_specs=[
            pl.BlockSpec((1, 1, TCBLK), lambda k: (N_SC // TCBLK + k, 0, 0)),
            pl.BlockSpec((TCBLK, WIDTH), lambda k: (N_SC // TCBLK + k, 0)),
        ],
        out_specs=pl.BlockSpec((B, WIDTH), lambda k: (0, 0)),
        out_shape=jax.ShapeDtypeStruct((B, WIDTH), jnp.float32),
    )(batch_pad, x)


def _mlp_body(part, part_tc, x_res, wpre_t, b_pre, proj, wg, wv, wpost_t,
              b_post, scale, xrn_out, xx_out):
    xr = part[0] + part[1] + part_tc[...] + x_res[...]
    xrn_out[...] = xr
    h = jnp.dot(xr, wpre_t[...], preferred_element_type=jnp.float32) + b_pre[...]
    mb = jnp.dot(h, proj[...], preferred_element_type=jnp.float32)
    d = h - mb
    var = jnp.dot(d * d, proj[...], preferred_element_type=jnp.float32)
    hn = d * lax.rsqrt(var + 1e-5)
    gate = jnp.dot(hn, wg[...], preferred_element_type=jnp.float32)
    val = jnp.dot(hn, wv[...], preferred_element_type=jnp.float32)
    z = jnp.maximum(gate, 0.0) * val
    y = jnp.dot(z, wpost_t[...], preferred_element_type=jnp.float32) + b_post[...]
    xx_out[...] = y * jnp.exp(scale[...])


def _tc_mlp(part, part_tc, x_res, W_pre, b_pre, W_gate, W_value, W_post,
            b_post, scale):
    proj = jnp.kron(jnp.eye(G, dtype=jnp.float32),
                    jnp.ones((HIN, HIN), jnp.float32) / HIN)
    eye_g = jnp.eye(G, dtype=jnp.float32)
    wg = jnp.einsum('goi,gh->giho', W_gate, eye_g).reshape(G * HIN, G * HOUT)
    wv = jnp.einsum('goi,gh->giho', W_value, eye_g).reshape(G * HIN, G * HOUT)
    return pl.pallas_call(
        _mlp_body,
        out_shape=[
            jax.ShapeDtypeStruct((B, WIDTH), jnp.float32),
            jax.ShapeDtypeStruct((B, WIDTH), jnp.float32),
        ],
    )(part, part_tc, x_res, W_pre.T, b_pre.reshape(1, WIDTH), proj, wg, wv,
      W_post.T, b_post.reshape(1, WIDTH), scale.reshape(1, WIDTH))


def kernel(x, x_res, batch, batch_size, W_pre, b_pre, W_gate, W_value, W_post,
           b_post, scale):
    del batch_size
    batch = batch.astype(jnp.int32)
    part = _sc_scatter(x, batch)
    part_tc = _tc_scatter(x, batch)
    xrn, xx = _tc_mlp(part, part_tc, x_res, W_pre, b_pre, W_gate, W_value,
                      W_post, b_post, scale)
    out = _sc_gather(xx, batch)
    return (out, xrn)

# --- scband reference (transcript-rebuilt; emitter-appended) ---
"""Pipeline reference for scband-virt-message-7232724927098 (READ-ONLY COPY).

The authoritative reference and input builder live on the scoring server;
editing this copy changes nothing except your own understanding.
"""

import jax, jax.numpy as jnp
import numpy as np

N, B, WIDTH = 100000, 1024, 128
G, HIN, WS = 8, 16, 2
HOUT = HIN * WS


def setup_inputs(seed: int = 0) -> dict:
    key = jax.random.key(seed)
    ks = jax.random.split(key, 10)
    x = jax.random.normal(ks[0], (N, WIDTH), dtype=jnp.float32)
    x_res = jax.random.normal(ks[1], (B, WIDTH), dtype=jnp.float32)
    batch = jnp.sort(jax.random.randint(ks[2], (N,), 0, B, dtype=jnp.int32))
    W_pre = jax.random.normal(ks[3], (WIDTH, WIDTH), dtype=jnp.float32) * 0.05
    b_pre = jnp.zeros((WIDTH,), dtype=jnp.float32)
    W_gate = jax.random.normal(ks[4], (G, HOUT, HIN), dtype=jnp.float32) * 0.05
    W_value = jax.random.normal(ks[5], (G, HOUT, HIN), dtype=jnp.float32) * 0.05
    W_post = jax.random.normal(ks[6], (WIDTH, G * HOUT), dtype=jnp.float32) * 0.05
    b_post = jnp.zeros((WIDTH,), dtype=jnp.float32)
    scale = jnp.full((WIDTH,), np.log(0.01), dtype=jnp.float32)
    return {"x": x, "x_res": x_res, "batch": batch, "batch_size": B,
            "W_pre": W_pre, "b_pre": b_pre, "W_gate": W_gate, "W_value": W_value,
            "W_post": W_post, "b_post": b_post, "scale": scale}


def _mlp(h, W_pre, b_pre, W_gate, W_value, W_post, b_post):
    # pre: 1x1 conv (linear) + GroupNorm(affine=False), spatial dim is 1
    h = h @ W_pre.T + b_pre
    Bn = h.shape[0]
    hg = h.reshape(Bn, G, HIN)
    mean = hg.mean(axis=-1, keepdims=True)
    var = hg.var(axis=-1, keepdims=True)
    hg = (hg - mean) / jnp.sqrt(var + 1e-5)
    gate = jnp.einsum('bgi,goi->bgo', hg, W_gate)
    val = jnp.einsum('bgi,goi->bgo', hg, W_value)
    z = jax.nn.relu(gate) * val
    z = z.reshape(Bn, G * HOUT)
    return z @ W_post.T + b_post


def reference(x, x_res, batch, batch_size, W_pre, b_pre, W_gate, W_value, W_post, b_post, scale):
    # scatter-sum node features into per-graph virtual node + residual
    num_segments = x_res.shape[0]
    segment_ids = batch + 0 * batch_size
    x_res_new = jax.ops.segment_sum(x, segment_ids, num_segments=num_segments) + x_res
    xx = _mlp(x_res_new, W_pre, b_pre, W_gate, W_value, W_post, b_post)
    xx = jnp.exp(scale) * xx
    xx = xx[batch]  # gather back to nodes
    return (xx, x_res_new)

if __name__ == "__main__":
    import jax
    _d = setup_inputs()
    print(jax.jit(kernel)(*tuple(_d.values())))

</pallas_src>

<mosaic_0001>
#map = affine_map<(d0, d1) -> (0, 0)>
#map1 = affine_map<(d0, d1) -> (0)>
#map2 = affine_map<(d0, d1) -> (0, 0, 0)>
module attributes {stable_mosaic.version = 14 : i64} {
  func.func @k(%arg0: i32, %arg1: i32, %arg2: memref<100000x128xf32, #tpu.memory_space<hbm>>, %arg3: memref<100000xi32, #tpu.memory_space<hbm>>, %arg4: memref<2x1024x128xf32, #tpu.memory_space<hbm>>, %arg5: memref<6x128xi32, #tpu.memory_space<vmem>>, %arg6: memref<3x256x128xf32, #tpu.memory_space<vmem>>, %arg7: memref<8x128xf32, #tpu.memory_space<vmem>>, %arg8: memref<1024x128xf32, #tpu.memory_space<vmem_shared>>, %arg9: memref<!tpu.dma_semaphore, #tpu.memory_space<semaphore_mem>>, %arg10: memref<!tpu.dma_semaphore, #tpu.memory_space<semaphore_mem>>, %arg11: memref<!tpu.dma_semaphore, #tpu.memory_space<semaphore_mem>>, %arg12: memref<!tpu.dma_semaphore, #tpu.memory_space<semaphore_mem>>) attributes {dimension_semantics = [#tpu.dimension_semantics<core_parallel>, #tpu.dimension_semantics<subcore_parallel>], iteration_bounds = array<i64: 2, 16>, scalar_prefetch = 0 : i64, scratch_operands = 8 : i64, tpu.core_type = #tpu.core_type<sc_vector_subcore>, window_params = [{transform_indices = #map}, {transform_indices = #map1}, {transform_indices = #map2}]} {
    %mul3A = arith.constant 2 : i32
    %mul3A_0 = arith.muli %arg1, %mul3A : i32
    %add3A = arith.addi %mul3A_0, %arg0 : i32
    %mul3A_1 = arith.constant 256 : i32
    %mul3A_2 = arith.muli %add3A, %mul3A_1 : i32
    %multiple_of3A = tpu.assume_multiple %mul3A_2, 256 : i32
    %add3A_3 = arith.constant 0 : i32
    %add3A_4 = arith.addi %multiple_of3A, %add3A_3 : i32
    %dma_start3A = arith.constant 0 : i32
    %dma_start3A_5 = arith.constant 0 : i32
    %dma_start3A_6 = tpu.memref_slice %arg5[%dma_start3A, %dma_start3A_5] : memref<6x128xi32, #tpu.memory_space<vmem>> -> memref<1x128xi32, #tpu.memory_space<vmem>>
    %dma_start3A_7 = tpu.memref_squeeze %dma_start3A_6 : memref<1x128xi32, #tpu.memory_space<vmem>> -> memref<128xi32, #tpu.memory_space<vmem>>
    %dma_start3A_8 = tpu.memref_slice %arg3[%add3A_4] : memref<100000xi32, #tpu.memory_space<hbm>> -> memref<128xi32, #tpu.memory_space<hbm>>
    %dma_start3A_9 = arith.constant 0 : i32
    %dma_start3A_10 = tpu.memref_slice %arg5[%dma_start3A, %dma_start3A_9] : memref<6x128xi32, #tpu.memory_space<vmem>> -> memref<1x128xi32, #tpu.memory_space<vmem>>
    %dma_start3A_11 = tpu.memref_squeeze %dma_start3A_10 : memref<1x128xi32, #tpu.memory_space<vmem>> -> memref<128xi32, #tpu.memory_space<vmem>>
    %dma_start3A_12 = tpu.memref_slice %arg3[%add3A_4] : memref<100000xi32, #tpu.memory_space<hbm>> -> memref<128xi32, #tpu.memory_space<hbm>>
    tpu.enqueue_dma source(%dma_start3A_12 : memref<128xi32, #tpu.memory_space<hbm>>) target(%dma_start3A_11 : memref<128xi32, #tpu.memory_space<vmem>>) target_semaphore(%arg9 : memref<!tpu.dma_semaphore, #tpu.memory_space<semaphore_mem>>)
    %add3A_13 = arith.constant 128 : i32
    %add3A_14 = arith.addi %multiple_of3A, %add3A_13 : i32
    %dma_start3A_15 = arith.constant 1 : i32
    %dma_start3A_16 = arith.constant 0 : i32
    %dma_start3A_17 = tpu.memref_slice %arg5[%dma_start3A_15, %dma_start3A_16] : memref<6x128xi32, #tpu.memory_space<vmem>> -> memref<1x128xi32, #tpu.memory_space<vmem>>
    %dma_start3A_18 = tpu.memref_squeeze %dma_start3A_17 : memref<1x128xi32, #tpu.memory_space<vmem>> -> memref<128xi32, #tpu.memory_space<vmem>>
    %dma_start3A_19 = tpu.memref_slice %arg3[%add3A_14] : memref<100000xi32, #tpu.memory_space<hbm>> -> memref<128xi32, #tpu.memory_space<hbm>>
    %dma_start3A_20 = arith.constant 0 : i32
    %dma_start3A_21 = tpu.memref_slice %arg5[%dma_start3A_15, %dma_start3A_20] : memref<6x128xi32, #tpu.memory_space<vmem>> -> memref<1x128xi32, #tpu.memory_space<vmem>>
    %dma_start3A_22 = tpu.memref_squeeze %dma_start3A_21 : memref<1x128xi32, #tpu.memory_space<vmem>> -> memref<128xi32, #tpu.memory_space<vmem>>
    %dma_start3A_23 = tpu.memref_slice %arg3[%add3A_14] : memref<100000xi32, #tpu.memory_space<hbm>> -> memref<128xi32, #tpu.memory_space<hbm>>
    tpu.enqueue_dma source(%dma_start3A_23 : memref<128xi32, #tpu.memory_space<hbm>>) target(%dma_start3A_22 : memref<128xi32, #tpu.memory_space<vmem>>) target_semaphore(%arg9 : memref<!tpu.dma_semaphore, #tpu.memory_space<semaphore_mem>>)
    %dma_start3A_24 = arith.constant 0 : i32
    %dma_start3A_25 = arith.constant 0 : i32
    %dma_start3A_26 = arith.constant 0 : i32
    %dma_start3A_27 = tpu.memref_slice %arg6[%dma_start3A_24, %dma_start3A_25, %dma_start3A_26] : memref<3x256x128xf32, #tpu.memory_space<vmem>> -> memref<1x256x128xf32, #tpu.memory_space<vmem>>
    %dma_start3A_28 = tpu.memref_squeeze %dma_start3A_27 : memref<1x256x128xf32, #tpu.memory_space<vmem>> -> memref<256x128xf32, #tpu.memory_space<vmem>>
    %dma_start3A_29 = arith.constant 0 : i32
    %dma_start3A_30 = tpu.memref_slice %arg2[%multiple_of3A, %dma_start3A_29] : memref<100000x128xf32, #tpu.memory_space<hbm>> -> memref<256x128xf32, #tpu.memory_space<hbm>>
    %dma_start3A_31 = arith.constant 0 : i32
    %dma_start3A_32 = arith.constant 0 : i32
    %dma_start3A_33 = tpu.memref_slice %arg6[%dma_start3A_24, %dma_start3A_31, %dma_start3A_32] : memref<3x256x128xf32, #tpu.memory_space<vmem>> -> memref<1x256x128xf32, #tpu.memory_space<vmem>>
    %dma_start3A_34 = tpu.memref_squeeze %dma_start3A_33 : memref<1x256x128xf32, #tpu.memory_space<vmem>> -> memref<256x128xf32, #tpu.memory_space<vmem>>
    %dma_start3A_35 = arith.constant 0 : i32
    %dma_start3A_36 = tpu.memref_slice %arg2[%multiple_of3A, %dma_start3A_35] : memref<100000x128xf32, #tpu.memory_space<hbm>> -> memref<256x128xf32, #tpu.memory_space<hbm>>
    tpu.enqueue_dma source(%dma_start3A_36 : memref<256x128xf32, #tpu.memory_space<hbm>>) target(%dma_start3A_34 : memref<256x128xf32, #tpu.memory_space<vmem>>) target_semaphore(%arg10 : memref<!tpu.dma_semaphore, #tpu.memory_space<semaphore_mem>>)
    %add3A_37 = arith.constant 32 : i32
    %add3A_38 = arith.addi %add3A, %add3A_37 : i32
    %mul3A_39 = arith.constant 256 : i32
    %mul3A_40 = arith.muli %add3A_38, %mul3A_39 : i32
    %multiple_of3A_41 = tpu.assume_multiple %mul3A_40, 256 : i32
    %add3A_42 = arith.constant 0 : i32
    %add3A_43 = arith.addi %multiple_of3A_41, %add3A_42 : i32
    %dma_start3A_44 = arith.constant 2 : i32
    %dma_start3A_45 = arith.constant 0 : i32
    %dma_start3A_46 = tpu.memref_slice %arg5[%dma_start3A_44, %dma_start3A_45] : memref<6x128xi32, #tpu.memory_space<vmem>> -> memref<1x128xi32, #tpu.memory_space<vmem>>
    %dma_start3A_47 = tpu.memref_squeeze %dma_start3A_46 : memref<1x128xi32, #tpu.memory_space<vmem>> -> memref<128xi32, #tpu.memory_space<vmem>>
    %dma_start3A_48 = tpu.memref_slice %arg3[%add3A_43] : memref<100000xi32, #tpu.memory_space<hbm>> -> memref<128xi32, #tpu.memory_space<hbm>>
    %dma_start3A_49 = arith.constant 0 : i32
    %dma_start3A_50 = tpu.memref_slice %arg5[%dma_start3A_44, %dma_start3A_49] : memref<6x128xi32, #tpu.memory_space<vmem>> -> memref<1x128xi32, #tpu.memory_space<vmem>>
    %dma_start3A_51 = tpu.memref_squeeze %dma_start3A_50 : memref<1x128xi32, #tpu.memory_space<vmem>> -> memref<128xi32, #tpu.memory_space<vmem>>
    %dma_start3A_52 = tpu.memref_slice %arg3[%add3A_43] : memref<100000xi32, #tpu.memory_space<hbm>> -> memref<128xi32, #tpu.memory_space<hbm>>
    tpu.enqueue_dma source(%dma_start3A_52 : memref<128xi32, #tpu.memory_space<hbm>>) target(%dma_start3A_51 : memref<128xi32, #tpu.memory_space<vmem>>) target_semaphore(%arg9 : memref<!tpu.dma_semaphore, #tpu.memory_space<semaphore_mem>>)
    %add3A_53 = arith.constant 128 : i32
    %add3A_54 = arith.addi %multiple_of3A_41, %add3A_53 : i32
    %dma_start3A_55 = arith.constant 3 : i32
    %dma_start3A_56 = arith.constant 0 : i32
    %dma_start3A_57 = tpu.memref_slice %arg5[%dma_start3A_55, %dma_start3A_56] : memref<6x128xi32, #tpu.memory_space<vmem>> -> memref<1x128xi32, #tpu.memory_space<vmem>>
    %dma_start3A_58 = tpu.memref_squeeze %dma_start3A_57 : memref<1x128xi32, #tpu.memory_space<vmem>> -> memref<128xi32, #tpu.memory_space<vmem>>
    %dma_start3A_59 = tpu.memref_slice %arg3[%add3A_54] : memref<100000xi32, #tpu.memory_space<hbm>> -> memref<128xi32, #tpu.memory_space<hbm>>
    %dma_start3A_60 = arith.constant 0 : i32
    %dma_start3A_61 = tpu.memref_slice %arg5[%dma_start3A_55, %dma_start3A_60] : memref<6x128xi32, #tpu.memory_space<vmem>> -> memref<1x128xi32, #tpu.memory_space<vmem>>
    %dma_start3A_62 = tpu.memref_squeeze %dma_start3A_61 : memref<1x128xi32, #tpu.memory_space<vmem>> -> memref<128xi32, #tpu.memory_space<vmem>>
    %dma_start3A_63 = tpu.memref_slice %arg3[%add3A_54] : memref<100000xi32, #tpu.memory_space<hbm>> -> memref<128xi32, #tpu.memory_space<hbm>>
    tpu.enqueue_dma source(%dma_start3A_63 : memref<128xi32, #tpu.memory_space<hbm>>) target(%dma_start3A_62 : memref<128xi32, #tpu.memory_space<vmem>>) target_semaphore(%arg9 : memref<!tpu.dma_semaphore, #tpu.memory_space<semaphore_mem>>)
    %dma_start3A_64 = arith.constant 1 : i32
    %dma_start3A_65 = arith.constant 0 : i32
    %dma_start3A_66 = arith.constant 0 : i32
    %dma_start3A_67 = tpu.memref_slice %arg6[%dma_start3A_64, %dma_start3A_65, %dma_start3A_66] : memref<3x256x128xf32, #tpu.memory_space<vmem>> -> memref<1x256x128xf32, #tpu.memory_space<vmem>>
    %dma_start3A_68 = tpu.memref_squeeze %dma_start3A_67 : memref<1x256x128xf32, #tpu.memory_space<vmem>> -> memref<256x128xf32, #tpu.memory_space<vmem>>
    %dma_start3A_69 = arith.constant 0 : i32
    %dma_start3A_70 = tpu.memref_slice %arg2[%multiple_of3A_41, %dma_start3A_69] : memref<100000x128xf32, #tpu.memory_space<hbm>> -> memref<256x128xf32, #tpu.memory_space<hbm>>
    %dma_start3A_71 = arith.constant 0 : i32
    %dma_start3A_72 = arith.constant 0 : i32
    %dma_start3A_73 = tpu.memref_slice %arg6[%dma_start3A_64, %dma_start3A_71, %dma_start3A_72] : memref<3x256x128xf32, #tpu.memory_space<vmem>> -> memref<1x256x128xf32, #tpu.memory_space<vmem>>
    %dma_start3A_74 = tpu.memref_squeeze %dma_start3A_73 : memref<1x256x128xf32, #tpu.memory_space<vmem>> -> memref<256x128xf32, #tpu.memory_space<vmem>>
    %dma_start3A_75 = arith.constant 0 : i32
    %dma_start3A_76 = tpu.memref_slice %arg2[%multiple_of3A_41, %dma_start3A_75] : memref<100000x128xf32, #tpu.memory_space<hbm>> -> memref<256x128xf32, #tpu.memory_space<hbm>>
    tpu.enqueue_dma source(%dma_start3A_76 : memref<256x128xf32, #tpu.memory_space<hbm>>) target(%dma_start3A_74 : memref<256x128xf32, #tpu.memory_space<vmem>>) target_semaphore(%arg10 : memref<!tpu.dma_semaphore, #tpu.memory_space<semaphore_mem>>)
    %broadcast_in_dim3A = arith.constant 0.000000e+00 : f32
    %broadcast_in_dim3A_77 = vector.broadcast %broadcast_in_dim3A : f32 to vector<16xf32>
    %swap3A = arith.constant 0 : i32
    %swap3A_78 = arith.index_cast %swap3A : i32 to index
    %swap3A_79 = arith.constant 0 : index
    %swap3A_80 = tpu.vector_load %arg7[%swap3A_78, %swap3A_79] {strides = array<i32>} : memref<8x128xf32, #tpu.memory_space<vmem>>, vector<1x16xf32>,
    %swap3A_81 = vector.shape_cast %swap3A_80 : vector<1x16xf32> to vector<16xf32>
    %swap3A_82 = vector.shape_cast %broadcast_in_dim3A_77 : vector<16xf32> to vector<1x16xf32>
    tpu.vector_store %arg7[%swap3A_78, %swap3A_79], %swap3A_82 {strides = array<i32>} : memref<8x128xf32, #tpu.memory_space<vmem>>, vector<1x16xf32>,
    %swap3A_83 = arith.constant 0 : i32
    %swap3A_84 = arith.index_cast %swap3A_83 : i32 to index
    %swap3A_85 = arith.constant 16 : index
    %swap3A_86 = tpu.vector_load %arg7[%swap3A_84, %swap3A_85] {strides = array<i32>} : memref<8x128xf32, #tpu.memory_space<vmem>>, vector<1x16xf32>,
    %swap3A_87 = vector.shape_cast %swap3A_86 : vector<1x16xf32> to vector<16xf32>
    %swap3A_88 = vector.shape_cast %broadcast_in_dim3A_77 : vector<16xf32> to vector<1x16xf32>
    tpu.vector_store %arg7[%swap3A_84, %swap3A_85], %swap3A_88 {strides = array<i32>} : memref<8x128xf32, #tpu.memory_space<vmem>>, vector<1x16xf32>,
    %swap3A_89 = arith.constant 0 : i32
    %swap3A_90 = arith.index_cast %swap3A_89 : i32 to index
    %swap3A_91 = arith.constant 32 : index
    %swap3A_92 = tpu.vector_load %arg7[%swap3A_90, %swap3A_91] {strides = array<i32>} : memref<8x128xf32, #tpu.memory_space<vmem>>, vector<1x16xf32>,
    %swap3A_93 = vector.shape_cast %swap3A_92 : vector<1x16xf32> to vector<16xf32>
    %swap3A_94 = vector.shape_cast %broadcast_in_dim3A_77 : vector<16xf32> to vector<1x16xf32>
    tpu.vector_store %arg7[%swap3A_90, %swap3A_91], %swap3A_94 {strides = array<i32>} : memref<8x128xf32, #tpu.memory_space<vmem>>, vector<1x16xf32>,
    %swap3A_95 = arith.constant 0 : i32
    %swap3A_96 = arith.index_cast %swap3A_95 : i32 to index
    %swap3A_97 = arith.constant 48 : index
    %swap3A_98 = tpu.vector_load %arg7[%swap3A_96, %swap3A_97] {strides = array<i32>} : memref<8x128xf32, #tpu.memory_space<vmem>>, vector<1x16xf32>,
    %swap3A_99 = vector.shape_cast %swap3A_98 : vector<1x16xf32> to vector<16xf32>
    %swap3A_100 = vector.shape_cast %broadcast_in_dim3A_77 : vector<16xf32> to vector<1x16xf32>
    tpu.vector_store %arg7[%swap3A_96, %swap3A_97], %swap3A_100 {strides = array<i32>} : memref<8x128xf32, #tpu.memory_space<vmem>>, vector<1x16xf32>,
    %swap3A_101 = arith.constant 0 : i32
    %swap3A_102 = arith.index_cast %swap3A_101 : i32 to index
    %swap3A_103 = arith.constant 64 : index
    %swap3A_104 = tpu.vector_load %arg7[%swap3A_102, %swap3A_103] {strides = array<i32>} : memref<8x128xf32, #tpu.memory_space<vmem>>, vector<1x16xf32>,
    %swap3A_105 = vector.shape_cast %swap3A_104 : vector<1x16xf32> to vector<16xf32>
    %swap3A_106 = vector.shape_cast %broadcast_in_dim3A_77 : vector<16xf32> to vector<1x16xf32>
    tpu.vector_store %arg7[%swap3A_102, %swap3A_103], %swap3A_106 {strides = array<i32>} : memref<8x128xf32, #tpu.memory_space<vmem>>, vector<1x16xf32>,
    %swap3A_107 = arith.constant 0 : i32
    %swap3A_108 = arith.index_cast %swap3A_107 : i32 to index
    %swap3A_109 = arith.constant 80 : index
    %swap3A_110 = tpu.vector_load %arg7[%swap3A_108, %swap3A_109] {strides = array<i32>} : memref<8x128xf32, #tpu.memory_space<vmem>>, vector<1x16xf32>,
    %swap3A_111 = vector.shape_cast %swap3A_110 : vector<1x16xf32> to vector<16xf32>
    %swap3A_112 = vector.shape_cast %broadcast_in_dim3A_77 : vector<16xf32> to vector<1x16xf32>
    tpu.vector_store %arg7[%swap3A_108, %swap3A_109], %swap3A_112 {strides = array<i32>} : memref<8x128xf32, #tpu.memory_space<vmem>>, vector<1x16xf32>,
    %swap3A_113 = arith.constant 0 : i32
    %swap3A_114 = arith.index_cast %swap3A_113 : i32 to index
    %swap3A_115 = arith.constant 96 : index
    %swap3A_116 = tpu.vector_load %arg7[%swap3A_114, %swap3A_115] {strides = array<i32>} : memref<8x128xf32, #tpu.memory_space<vmem>>, vector<1x16xf32>,
    %swap3A_117 = vector.shape_cast %swap3A_116 : vector<1x16xf32> to vector<16xf32>
    %swap3A_118 = vector.shape_cast %broadcast_in_dim3A_77 : vector<16xf32> to vector<1x16xf32>
    tpu.vector_store %arg7[%swap3A_114, %swap3A_115], %swap3A_118 {strides = array<i32>} : memref<8x128xf32, #tpu.memory_space<vmem>>, vector<1x16xf32>,
    %swap3A_119 = arith.constant 0 : i32
    %swap3A_120 = arith.index_cast %swap3A_119 : i32 to index
    %swap3A_121 = arith.constant 112 : index
    %swap3A_122 = tpu.vector_load %arg7[%swap3A_120, %swap3A_121] {strides = array<i32>} : memref<8x128xf32, #tpu.memory_space<vmem>>, vector<1x16xf32>,
    %swap3A_123 = vector.shape_cast %swap3A_122 : vector<1x16xf32> to vector<16xf32>
    %swap3A_124 = vector.shape_cast %broadcast_in_dim3A_77 : vector<16xf32> to vector<1x16xf32>
    tpu.vector_store %arg7[%swap3A_120, %swap3A_121], %swap3A_124 {strides = array<i32>} : memref<8x128xf32, #tpu.memory_space<vmem>>, vector<1x16xf32>,
    %swap3A_125 = arith.constant 1 : i32
    %swap3A_126 = arith.index_cast %swap3A_125 : i32 to index
    %swap3A_127 = arith.constant 0 : index
    %swap3A_128 = tpu.vector_load %arg7[%swap3A_126, %swap3A_127] {strides = array<i32>} : memref<8x128xf32, #tpu.memory_space<vmem>>, vector<1x16xf32>,
    %swap3A_129 = vector.shape_cast %swap3A_128 : vector<1x16xf32> to vector<16xf32>
    %swap3A_130 = vector.shape_cast %broadcast_in_dim3A_77 : vector<16xf32> to vector<1x16xf32>
    tpu.vector_store %arg7[%swap3A_126, %swap3A_127], %swap3A_130 {strides = array<i32>} : memref<8x128xf32, #tpu.memory_space<vmem>>, vector<1x16xf32>,
    %swap3A_131 = arith.constant 1 : i32
    %swap3A_132 = arith.index_cast %swap3A_131 : i32 to index
    %swap3A_133 = arith.constant 16 : index
    %swap3A_134 = tpu.vector_load %arg7[%swap3A_132, %swap3A_133] {strides = array<i32>} : memref<8x128xf32, #tpu.memory_space<vmem>>, vector<1x16xf32>,
    %swap3A_135 = vector.shape_cast %swap3A_134 : vector<1x16xf32> to vector<16xf32>
    %swap3A_136 = vector.shape_cast %broadcast_in_dim3A_77 : vector<16xf32> to vector<1x16xf32>
    tpu.vector_store %arg7[%swap3A_132, %swap3A_133], %swap3A_136 {strides = array<i32>} : memref<8x128xf32, #tpu.memory_space<vmem>>, vector<1x16xf32>,
    %swap3A_137 = arith.constant 1 : i32
    %swap3A_138 = arith.index_cast %swap3A_137 : i32 to index
    %swap3A_139 = arith.constant 32 : index
    %swap3A_140 = tpu.vector_load %arg7[%swap3A_138, %swap3A_139] {strides = array<i32>} : memref<8x128xf32, #tpu.memory_space<vmem>>, vector<1x16xf32>,
    %swap3A_141 = vector.shape_cast %swap3A_140 : vector<1x16xf32> to vector<16xf32>
    %swap3A_142 = vector.shape_cast %broadcast_in_dim3A_77 : vector<16xf32> to vector<1x16xf32>
    tpu.vector_store %arg7[%swap3A_138, %swap3A_139], %swap3A_142 {strides = array<i32>} : memref<8x128xf32, #tpu.memory_space<vmem>>, vector<1x16xf32>,
    %swap3A_143 = arith.constant 1 : i32
    %swap3A_144 = arith.index_cast %swap3A_143 : i32 to index
    %swap3A_145 = arith.constant 48 : index
    %swap3A_146 = tpu.vector_load %arg7[%swap3A_144, %swap3A_145] {strides = array<i32>} : memref<8x128xf32, #tpu.memory_space<vmem>>, vector<1x16xf32>,
    %swap3A_147 = vector.shape_cast %swap3A_146 : vector<1x16xf32> to vector<16xf32>
    %swap3A_148 = vector.shape_cast %broadcast_in_dim3A_77 : vector<16xf32> to vector<1x16xf32>
    tpu.vector_store %arg7[%swap3A_144, %swap3A_145], %swap3A_148 {strides = array<i32>} : memref<8x128xf32, #tpu.memory_space<vmem>>, vector<1x16xf32>,
    %swap3A_149 = arith.constant 1 : i32
    %swap3A_150 = arith.index_cast %swap3A_149 : i32 to index
    %swap3A_151 = arith.constant 64 : index
    %swap3A_152 = tpu.vector_load %arg7[%swap3A_150, %swap3A_151] {strides = array<i32>} : memref<8x128xf32, #tpu.memory_space<vmem>>, vector<1x16xf32>,
    %swap3A_153 = vector.shape_cast %swap3A_152 : vector<1x16xf32> to vector<16xf32>
    %swap3A_154 = vector.shape_cast %broadcast_in_dim3A_77 : vector<16xf32> to vector<1x16xf32>
    tpu.vector_store %arg7[%swap3A_150, %swap3A_151], %swap3A_154 {strides = array<i32>} : memref<8x128xf32, #tpu.memory_space<vmem>>, vector<1x16xf32>,
    %swap3A_155 = arith.constant 1 : i32
    %swap3A_156 = arith.index_cast %swap3A_155 : i32 to index
    %swap3A_157 = arith.constant 80 : index
    %swap3A_158 = tpu.vector_load %arg7[%swap3A_156, %swap3A_157] {strides = array<i32>} : memref<8x128xf32, #tpu.memory_space<vmem>>, vector<1x16xf32>,
    %swap3A_159 = vector.shape_cast %swap3A_158 : vector<1x16xf32> to vector<16xf32>
    %swap3A_160 = vector.shape_cast %broadcast_in_dim3A_77 : vector<16xf32> to vector<1x16xf32>
    tpu.vector_store %arg7[%swap3A_156, %swap3A_157], %swap3A_160 {strides = array<i32>} : memref<8x128xf32, #tpu.memory_space<vmem>>, vector<1x16xf32>,
    %swap3A_161 = arith.constant 1 : i32
    %swap3A_162 = arith.index_cast %swap3A_161 : i32 to index
    %swap3A_163 = arith.constant 96 : index
    %swap3A_164 = tpu.vector_load %arg7[%swap3A_162, %swap3A_163] {strides = array<i32>} : memref<8x128xf32, #tpu.memory_space<vmem>>, vector<1x16xf32>,
    %swap3A_165 = vector.shape_cast %swap3A_164 : vector<1x16xf32> to vector<16xf32>
    %swap3A_166 = vector.shape_cast %broadcast_in_dim3A_77 : vector<16xf32> to vector<1x16xf32>
    tpu.vector_store %arg7[%swap3A_162, %swap3A_163], %swap3A_166 {strides = array<i32>} : memref<8x128xf32, #tpu.memory_space<vmem>>, vector<1x16xf32>,
    %swap3A_167 = arith.constant 1 : i32
    %swap3A_168 = arith.index_cast %swap3A_167 : i32 to index
    %swap3A_169 = arith.constant 112 : index
    %swap3A_170 = tpu.vector_load %arg7[%swap3A_168, %swap3A_169] {strides = array<i32>} : memref<8x128xf32, #tpu.memory_space<vmem>>, vector<1x16xf32>,
    %swap3A_171 = vector.shape_cast %swap3A_170 : vector<1x16xf32> to vector<16xf32>
    %swap3A_172 = vector.shape_cast %broadcast_in_dim3A_77 : vector<16xf32> to vector<1x16xf32>
    tpu.vector_store %arg7[%swap3A_168, %swap3A_169], %swap3A_172 {strides = array<i32>} : memref<8x128xf32, #tpu.memory_space<vmem>>, vector<1x16xf32>,
    %swap3A_173 = arith.constant 2 : i32
    %swap3A_174 = arith.index_cast %swap3A_173 : i32 to index
    %swap3A_175 = arith.constant 0 : index
    %swap3A_176 = tpu.vector_load %arg7[%swap3A_174, %swap3A_175] {strides = array<i32>} : memref<8x128xf32, #tpu.memory_space<vmem>>, vector<1x16xf32>,
    %swap3A_177 = vector.shape_cast %swap3A_176 : vector<1x16xf32> to vector<16xf32>
    %swap3A_178 = vector.shape_cast %broadcast_in_dim3A_77 : vector<16xf32> to vector<1x16xf32>
    tpu.vector_store %arg7[%swap3A_174, %swap3A_175], %swap3A_178 {strides = array<i32>} : memref<8x128xf32, #tpu.memory_space<vmem>>, vector<1x16xf32>,
    %swap3A_179 = arith.constant 2 : i32
    %swap3A_180 = arith.index_cast %swap3A_179 : i32 to index
    %swap3A_181 = arith.constant 16 : index
    %swap3A_182 = tpu.vector_load %arg7[%swap3A_180, %swap3A_181] {strides = array<i32>} : memref<8x128xf32, #tpu.memory_space<vmem>>, vector<1x16xf32>,
    %swap3A_183 = vector.shape_cast %swap3A_182 : vector<1x16xf32> to vector<16xf32>
    %swap3A_184 = vector.shape_cast %broadcast_in_dim3A_77 : vector<16xf32> to vector<1x16xf32>
    tpu.vector_store %arg7[%swap3A_180, %swap3A_181], %swap3A_184 {strides = array<i32>} : memref<8x128xf32, #tpu.memory_space<vmem>>, vector<1x16xf32>,
    %swap3A_185 = arith.constant 2 : i32
    %swap3A_186 = arith.index_cast %swap3A_185 : i32 to index
    %swap3A_187 = arith.constant 32 : index
    %swap3A_188 = tpu.vector_load %arg7[%swap3A_186, %swap3A_187] {strides = array<i32>} : memref<8x128xf32, #tpu.memory_space<vmem>>, vector<1x16xf32>,
    %swap3A_189 = vector.shape_cast %swap3A_188 : vector<1x16xf32> to vector<16xf32>
    %swap3A_190 = vector.shape_cast %broadcast_in_dim3A_77 : vector<16xf32> to vector<1x16xf32>
    tpu.vector_store %arg7[%swap3A_186, %swap3A_187], %swap3A_190 {strides = array<i32>} : memref<8x128xf32, #tpu.memory_space<vmem>>, vector<1x16xf32>,
    %swap3A_191 = arith.constant 2 : i32
    %swap3A_192 = arith.index_cast %swap3A_191 : i32 to index
    %swap3A_193 = arith.constant 48 : index
    %swap3A_194 = tpu.vector_load %arg7[%swap3A_192, %swap3A_193] {strides = array<i32>} : memref<8x128xf32, #tpu.memory_space<vmem>>, vector<1x16xf32>,
    %swap3A_195 = vector.shape_cast %swap3A_194 : vector<1x16xf32> to vector<16xf32>
    %swap3A_196 = vector.shape_cast %broadcast_in_dim3A_77 : vector<16xf32> to vector<1x16xf32>
    tpu.vector_store %arg7[%swap3A_192, %swap3A_193], %swap3A_196 {strides = array<i32>} : memref<8x128xf32, #tpu.memory_space<vmem>>, vector<1x16xf32>,
    %swap3A_197 = arith.constant 2 : i32
    %swap3A_198 = arith.index_cast %swap3A_197 : i32 to index
    %swap3A_199 = arith.constant 64 : index
    %swap3A_200 = tpu.vector_load %arg7[%swap3A_198, %swap3A_199] {strides = array<i32>} : memref<8x128xf32, #tpu.memory_space<vmem>>, vector<1x16xf32>,
    %swap3A_201 = vector.shape_cast %swap3A_200 : vector<1x16xf32> to vector<16xf32>
    %swap3A_202 = vector.shape_cast %broadcast_in_dim3A_77 : vector<16xf32> to vector<1x16xf32>
    tpu.vector_store %arg7[%swap3A_198, %swap3A_199], %swap3A_202 {strides = array<i32>} : memref<8x128xf32, #tpu.memory_space<vmem>>, vector<1x16xf32>,
    %swap3A_203 = arith.constant 2 : i32
    %swap3A_204 = arith.index_cast %swap3A_203 : i32 to index
    %swap3A_205 = arith.constant 80 : index
    %swap3A_206 = tpu.vector_load %arg7[%swap3A_204, %swap3A_205] {strides = array<i32>} : memref<8x128xf32, #tpu.memory_space<vmem>>, vector<1x16xf32>,
    %swap3A_207 = vector.shape_cast %swap3A_206 : vector<1x16xf32> to vector<16xf32>
    %swap3A_208 = vector.shape_cast %broadcast_in_dim3A_77 : vector<16xf32> to vector<1x16xf32>
    tpu.vector_store %arg7[%swap3A_204, %swap3A_205], %swap3A_208 {strides = array<i32>} : memref<8x128xf32, #tpu.memory_space<vmem>>, vector<1x16xf32>,
    %swap3A_209 = arith.constant 2 : i32
    %swap3A_210 = arith.index_cast %swap3A_209 : i32 to index
    %swap3A_211 = arith.constant 96 : index
    %swap3A_212 = tpu.vector_load %arg7[%swap3A_210, %swap3A_211] {strides = array<i32>} : memref<8x128xf32, #tpu.memory_space<vmem>>, vector<1x16xf32>,
    %swap3A_213 = vector.shape_cast %swap3A_212 : vector<1x16xf32> to vector<16xf32>
    %swap3A_214 = vector.shape_cast %broadcast_in_dim3A_77 : vector<16xf32> to vector<1x16xf32>
    tpu.vector_store %arg7[%swap3A_210, %swap3A_211], %swap3A_214 {strides = array<i32>} : memref<8x128xf32, #tpu.memory_space<vmem>>, vector<1x16xf32>,
    %swap3A_215 = arith.constant 2 : i32
    %swap3A_216 = arith.index_cast %swap3A_215 : i32 to index
    %swap3A_217 = arith.constant 112 : index
    %swap3A_218 = tpu.vector_load %arg7[%swap3A_216, %swap3A_217] {strides = array<i32>} : memref<8x128xf32, #tpu.memory_space<vmem>>, vector<1x16xf32>,
    %swap3A_219 = vector.shape_cast %swap3A_218 : vector<1x16xf32> to vector<16xf32>
    %swap3A_220 = vector.shape_cast %broadcast_in_dim3A_77 : vector<16xf32> to vector<1x16xf32>
    tpu.vector_store %arg7[%swap3A_216, %swap3A_217], %swap3A_220 {strides = array<i32>} : memref<8x128xf32, #tpu.memory_space<vmem>>, vector<1x16xf32>,
    %swap3A_221 = arith.constant 3 : i32
    %swap3A_222 = arith.index_cast %swap3A_221 : i32 to index
    %swap3A_223 = arith.constant 0 : index
    %swap3A_224 = tpu.vector_load %arg7[%swap3A_222, %swap3A_223] {strides = array<i32>} : memref<8x128xf32, #tpu.memory_space<vmem>>, vector<1x16xf32>,
    %swap3A_225 = vector.shape_cast %swap3A_224 : vector<1x16xf32> to vector<16xf32>
    %swap3A_226 = vector.shape_cast %broadcast_in_dim3A_77 : vector<16xf32> to vector<1x16xf32>
    tpu.vector_store %arg7[%swap3A_222, %swap3A_223], %swap3A_226 {strides = array<i32>} : memref<8x128xf32, #tpu.memory_space<vmem>>, vector<1x16xf32>,
    %swap3A_227 = arith.constant 3 : i32
    %swap3A_228 = arith.index_cast %swap3A_227 : i32 to index
    %swap3A_229 = arith.constant 16 : index
    %swap3A_230 = tpu.vector_load %arg7[%swap3A_228, %swap3A_229] {strides = array<i32>} : memref<8x128xf32, #tpu.memory_space<vmem>>, vector<1x16xf32>,
    %swap3A_231 = vector.shape_cast %swap3A_230 : vector<1x16xf32> to vector<16xf32>
    %swap3A_232 = vector.shape_cast %broadcast_in_dim3A_77 : vector<16xf32> to vector<1x16xf32>
    tpu.vector_store %arg7[%swap3A_228, %swap3A_229], %swap3A_232 {strides = array<i32>} : memref<8x128xf32, #tpu.memory_space<vmem>>, vector<1x16xf32>,
    %swap3A_233 = arith.constant 3 : i32
    %swap3A_234 = arith.index_cast %swap3A_233 : i32 to index
    %swap3A_235 = arith.constant 32 : index
    %swap3A_236 = tpu.vector_load %arg7[%swap3A_234, %swap3A_235] {strides = array<i32>} : memref<8x128xf32, #tpu.memory_space<vmem>>, vector<1x16xf32>,
    %swap3A_237 = vector.shape_cast %swap3A_236 : vector<1x16xf32> to vector<16xf32>
    %swap3A_238 = vector.shape_cast %broadcast_in_dim3A_77 : vector<16xf32> to vector<1x16xf32>
    tpu.vector_store %arg7[%swap3A_234, %swap3A_235], %swap3A_238 {strides = array<i32>} : memref<8x128xf32, #tpu.memory_space<vmem>>, vector<1x16xf32>,
    %swap3A_239 = arith.constant 3 : i32
    %swap3A_240 = arith.index_cast %swap3A_239 : i32 to index
    %swap3A_241 = arith.constant 48 : index
    %swap3A_242 = tpu.vector_load %arg7[%swap3A_240, %swap3A_241] {strides = array<i32>} : memref<8x128xf32, #tpu.memory_space<vmem>>, vector<1x16xf32>,
    %swap3A_243 = vector.shape_cast %swap3A_242 : vector<1x16xf32> to vector<16xf32>
    %swap3A_244 = vector.shape_cast %broadcast_in_dim3A_77 : vector<16xf32> to vector<1x16xf32>
    tpu.vector_store %arg7[%swap3A_240, %swap3A_241], %swap3A_244 {strides = array<i32>} : memref<8x128xf32, #tpu.memory_space<vmem>>, vector<1x16xf32>,
    %swap3A_245 = arith.constant 3 : i32
    %swap3A_246 = arith.index_cast %swap3A_245 : i32 to index
    %swap3A_247 = arith.constant 64 : index
    %swap3A_248 = tpu.vector_load %arg7[%swap3A_246, %swap3A_247] {strides = array<i32>} : memref<8x128xf32, #tpu.memory_space<vmem>>, vector<1x16xf32>,
    %swap3A_249 = vector.shape_cast %swap3A_248 : vector<1x16xf32> to vector<16xf32>
    %swap3A_250 = vector.shape_cast %broadcast_in_dim3A_77 : vector<16xf32> to vector<1x16xf32>
    tpu.vector_store %arg7[%swap3A_246, %swap3A_247], %swap3A_250 {strides = array<i32>} : memref<8x128xf32, #tpu.memory_space<vmem>>, vector<1x16xf32>,
    %swap3A_251 = arith.constant 3 : i32
    %swap3A_252 = arith.index_cast %swap3A_251 : i32 to index
    %swap3A_253 = arith.constant 80 : index
    %swap3A_254 = tpu.vector_load %arg7[%swap3A_252, %swap3A_253] {strides = array<i32>} : memref<8x128xf32, #tpu.memory_space<vmem>>, vector<1x16xf32>,
    %swap3A_255 = vector.shape_cast %swap3A_254 : vector<1x16xf32> to vector<16xf32>
    %swap3A_256 = vector.shape_cast %broadcast_in_dim3A_77 : vector<16xf32> to vector<1x16xf32>
    tpu.vector_store %arg7[%swap3A_252, %swap3A_253], %swap3A_256 {strides = array<i32>} : memref<8x128xf32, #tpu.memory_space<vmem>>, vector<1x16xf32>,
    %swap3A_257 = arith.constant 3 : i32
    %swap3A_258 = arith.index_cast %swap3A_257 : i32 to index
    %swap3A_259 = arith.constant 96 : index
    %swap3A_260 = tpu.vector_load %arg7[%swap3A_258, %swap3A_259] {strides = array<i32>} : memref<8x128xf32, #tpu.memory_space<vmem>>, vector<1x16xf32>,
    %swap3A_261 = vector.shape_cast %swap3A_260 : vector<1x16xf32> to vector<16xf32>
    %swap3A_262 = vector.shape_cast %broadcast_in_dim3A_77 : vector<16xf32> to vector<1x16xf32>
    tpu.vector_store %arg7[%swap3A_258, %swap3A_259], %swap3A_262 {strides = array<i32>} : memref<8x128xf32, #tpu.memory_space<vmem>>, vector<1x16xf32>,
    %swap3A_263 = arith.constant 3 : i32
    %swap3A_264 = arith.index_cast %swap3A_263 : i32 to index
    %swap3A_265 = arith.constant 112 : index
    %swap3A_266 = tpu.vector_load %arg7[%swap3A_264, %swap3A_265] {strides = array<i32>} : memref<8x128xf32, #tpu.memory_space<vmem>>, vector<1x16xf32>,
    %swap3A_267 = vector.shape_cast %swap3A_266 : vector<1x16xf32> to vector<16xf32>
    %swap3A_268 = vector.shape_cast %broadcast_in_dim3A_77 : vector<16xf32> to vector<1x16xf32>
    tpu.vector_store %arg7[%swap3A_264, %swap3A_265], %swap3A_268 {strides = array<i32>} : memref<8x128xf32, #tpu.memory_space<vmem>>, vector<1x16xf32>,
    %swap3A_269 = arith.constant 4 : i32
    %swap3A_270 = arith.index_cast %swap3A_269 : i32 to index
    %swap3A_271 = arith.constant 0 : index
    %swap3A_272 = tpu.vector_load %arg7[%swap3A_270, %swap3A_271] {strides = array<i32>} : memref<8x128xf32, #tpu.memory_space<vmem>>, vector<1x16xf32>,
    %swap3A_273 = vector.shape_cast %swap3A_272 : vector<1x16xf32> to vector<16xf32>
    %swap3A_274 = vector.shape_cast %broadcast_in_dim3A_77 : vector<16xf32> to vector<1x16xf32>
    tpu.vector_store %arg7[%swap3A_270, %swap3A_271], %swap3A_274 {strides = array<i32>} : memref<8x128xf32, #tpu.memory_space<vmem>>, vector<1x16xf32>,
    %swap3A_275 = arith.constant 4 : i32
    %swap3A_276 = arith.index_cast %swap3A_275 : i32 to index
    %swap3A_277 = arith.constant 16 : index
    %swap3A_278 = tpu.vector_load %arg7[%swap3A_276, %swap3A_277] {strides = array<i32>} : memref<8x128xf32, #tpu.memory_space<vmem>>, vector<1x16xf32>,
    %swap3A_279 = vector.shape_cast %swap3A_278 : vector<1x16xf32> to vector<16xf32>
    %swap3A_280 = vector.shape_cast %broadcast_in_dim3A_77 : vector<16xf32> to vector<1x16xf32>
    tpu.vector_store %arg7[%swap3A_276, %swap3A_277], %swap3A_280 {strides = array<i32>} : memref<8x128xf32, #tpu.memory_space<vmem>>, vector<1x16xf32>,
    %swap3A_281 = arith.constant 4 : i32
    %swap3A_282 = arith.index_cast %swap3A_281 : i32 to index
    %swap3A_283 = arith.constant 32 : index
    %swap3A_284 = tpu.vector_load %arg7[%swap3A_282, %swap3A_283] {strides = array<i32>} : memref<8x128xf32, #tpu.memory_space<vmem>>, vector<1x16xf32>,
    %swap3A_285 = vector.shape_cast %swap3A_284 : vector<1x16xf32> to vector<16xf32>
    %swap3A_286 = vector.shape_cast %broadcast_in_dim3A_77 : vector<16xf32> to vector<1x16xf32>
    tpu.vector_store %arg7[%swap3A_282, %swap3A_283], %swap3A_286 {strides = array<i32>} : memref<8x128xf32, #tpu.memory_space<vmem>>, vector<1x16xf32>,
    %swap3A_287 = arith.constant 4 : i32
    %swap3A_288 = arith.index_cast %swap3A_287 : i32 to index
    %swap3A_289 = arith.constant 48 : index
    %swap3A_290 = tpu.vector_load %arg7[%swap3A_288, %swap3A_289] {strides = array<i32>} : memref<8x128xf32, #tpu.memory_space<vmem>>, vector<1x16xf32>,
    %swap3A_291 = vector.shape_cast %swap3A_290 : vector<1x16xf32> to vector<16xf32>
    %swap3A_292 = vector.shape_cast %broadcast_in_dim3A_77 : vector<16xf32> to vector<1x16xf32>
    tpu.vector_store %arg7[%swap3A_288, %swap3A_289], %swap3A_292 {strides = array<i32>} : memref<8x128xf32, #tpu.memory_space<vmem>>, vector<1x16xf32>,
    %swap3A_293 = arith.constant 4 : i32
    %swap3A_294 = arith.index_cast %swap3A_293 : i32 to index
    %swap3A_295 = arith.constant 64 : index
    %swap3A_296 = tpu.vector_load %arg7[%swap3A_294, %swap3A_295] {strides = array<i32>} : memref<8x128xf32, #tpu.memory_space<vmem>>, vector<1x16xf32>,
    %swap3A_297 = vector.shape_cast %swap3A_296 : vector<1x16xf32> to vector<16xf32>
    %swap3A_298 = vector.shape_cast %broadcast_in_dim3A_77 : vector<16xf32> to vector<1x16xf32>
    tpu.vector_store %arg7[%swap3A_294, %swap3A_295], %swap3A_298 {strides = array<i32>} : memref<8x128xf32, #tpu.memory_space<vmem>>, vector<1x16xf32>,
    %swap3A_299 = arith.constant 4 : i32
    %swap3A_300 = arith.index_cast %swap3A_299 : i32 to index
    %swap3A_301 = arith.constant 80 : index
    %swap3A_302 = tpu.vector_load %arg7[%swap3A_300, %swap3A_301] {strides = array<i32>} : memref<8x128xf32, #tpu.memory_space<vmem>>, vector<1x16xf32>,
    %swap3A_303 = vector.shape_cast %swap3A_302 : vector<1x16xf32> to vector<16xf32>
    %swap3A_304 = vector.shape_cast %broadcast_in_dim3A_77 : vector<16xf32> to vector<1x16xf32>
    tpu.vector_store %arg7[%swap3A_300, %swap3A_301], %swap3A_304 {strides = array<i32>} : memref<8x128xf32, #tpu.memory_space<vmem>>, vector<1x16xf32>,
    %swap3A_305 = arith.constant 4 : i32
    %swap3A_306 = arith.index_cast %swap3A_305 : i32 to index
    %swap3A_307 = arith.constant 96 : index
    %swap3A_308 = tpu.vector_load %arg7[%swap3A_306, %swap3A_307] {strides = array<i32>} : memref<8x128xf32, #tpu.memory_space<vmem>>, vector<1x16xf32>,
    %swap3A_309 = vector.shape_cast %swap3A_308 : vector<1x16xf32> to vector<16xf32>
    %swap3A_310 = vector.shape_cast %broadcast_in_dim3A_77 : vector<16xf32> to vector<1x16xf32>
    tpu.vector_store %arg7[%swap3A_306, %swap3A_307], %swap3A_310 {strides = array<i32>} : memref<8x128xf32, #tpu.memory_space<vmem>>, vector<1x16xf32>,
    %swap3A_311 = arith.constant 4 : i32
    %swap3A_312 = arith.index_cast %swap3A_311 : i32 to index
    %swap3A_313 = arith.constant 112 : index
    %swap3A_314 = tpu.vector_load %arg7[%swap3A_312, %swap3A_313] {strides = array<i32>} : memref<8x128xf32, #tpu.memory_space<vmem>>, vector<1x16xf32>,
    %swap3A_315 = vector.shape_cast %swap3A_314 : vector<1x16xf32> to vector<16xf32>
    %swap3A_316 = vector.shape_cast %broadcast_in_dim3A_77 : vector<16xf32> to vector<1x16xf32>
    tpu.vector_store %arg7[%swap3A_312, %swap3A_313], %swap3A_316 {strides = array<i32>} : memref<8x128xf32, #tpu.memory_space<vmem>>, vector<1x16xf32>,
    %swap3A_317 = arith.constant 5 : i32
    %swap3A_318 = arith.index_cast %swap3A_317 : i32 to index
    %swap3A_319 = arith.constant 0 : index
    %swap3A_320 = tpu.vector_load %arg7[%swap3A_318, %swap3A_319] {strides = array<i32>} : memref<8x128xf32, #tpu.memory_space<vmem>>, vector<1x16xf32>,
    %swap3A_321 = vector.shape_cast %swap3A_320 : vector<1x16xf32> to vector<16xf32>
    %swap3A_322 = vector.shape_cast %broadcast_in_dim3A_77 : vector<16xf32> to vector<1x16xf32>
    tpu.vector_store %arg7[%swap3A_318, %swap3A_319], %swap3A_322 {strides = array<i32>} : memref<8x128xf32, #tpu.memory_space<vmem>>, vector<1x16xf32>,
    %swap3A_323 = arith.constant 5 : i32
    %swap3A_324 = arith.index_cast %swap3A_323 : i32 to index
    %swap3A_325 = arith.constant 16 : index
    %swap3A_326 = tpu.vector_load %arg7[%swap3A_324, %swap3A_325] {strides = array<i32>} : memref<8x128xf32, #tpu.memory_space<vmem>>, vector<1x16xf32>,
    %swap3A_327 = vector.shape_cast %swap3A_326 : vector<1x16xf32> to vector<16xf32>
    %swap3A_328 = vector.shape_cast %broadcast_in_dim3A_77 : vector<16xf32> to vector<1x16xf32>
    tpu.vector_store %arg7[%swap3A_324, %swap3A_325], %swap3A_328 {strides = array<i32>} : memref<8x128xf32, #tpu.memory_space<vmem>>, vector<1x16xf32>,
    %swap3A_329 = arith.constant 5 : i32
    %swap3A_330 = arith.index_cast %swap3A_329 : i32 to index
    %swap3A_331 = arith.constant 32 : index
    %swap3A_332 = tpu.vector_load %arg7[%swap3A_330, %swap3A_331] {strides = array<i32>} : memref<8x128xf32, #tpu.memory_space<vmem>>, vector<1x16xf32>,
    %swap3A_333 = vector.shape_cast %swap3A_332 : vector<1x16xf32> to vector<16xf32>
    %swap3A_334 = vector.shape_cast %broadcast_in_dim3A_77 : vector<16xf32> to vector<1x16xf32>
    tpu.vector_store %arg7[%swap3A_330, %swap3A_331], %swap3A_334 {strides = array<i32>} : memref<8x128xf32, #tpu.memory_space<vmem>>, vector<1x16xf32>,
    %swap3A_335 = arith.constant 5 : i32
    %swap3A_336 = arith.index_cast %swap3A_335 : i32 to index
    %swap3A_337 = arith.constant 48 : index
    %swap3A_338 = tpu.vector_load %arg7[%swap3A_336, %swap3A_337] {strides = array<i32>} : memref<8x128xf32, #tpu.memory_space<vmem>>, vector<1x16xf32>,
    %swap3A_339 = vector.shape_cast %swap3A_338 : vector<1x16xf32> to vector<16xf32>
    %swap3A_340 = vector.shape_cast %broadcast_in_dim3A_77 : vector<16xf32> to vector<1x16xf32>
    tpu.vector_store %arg7[%swap3A_336, %swap3A_337], %swap3A_340 {strides = array<i32>} : memref<8x128xf32, #tpu.memory_space<vmem>>, vector<1x16xf32>,
    %swap3A_341 = arith.constant 5 : i32
    %swap3A_342 = arith.index_cast %swap3A_341 : i32 to index
    %swap3A_343 = arith.constant 64 : index
    %swap3A_344 = tpu.vector_load %arg7[%swap3A_342, %swap3A_343] {strides = array<i32>} : memref<8x128xf32, #tpu.memory_space<vmem>>, vector<1x16xf32>,
    %swap3A_345 = vector.shape_cast %swap3A_344 : vector<1x16xf32> to vector<16xf32>
    %swap3A_346 = vector.shape_cast %broadcast_in_dim3A_77 : vector<16xf32> to vector<1x16xf32>
    tpu.vector_store %arg7[%swap3A_342, %swap3A_343], %swap3A_346 {strides = array<i32>} : memref<8x128xf32, #tpu.memory_space<vmem>>, vector<1x16xf32>,
    %swap3A_347 = arith.constant 5 : i32
    %swap3A_348 = arith.index_cast %swap3A_347 : i32 to index
    %swap3A_349 = arith.constant 80 : index
    %swap3A_350 = tpu.vector_load %arg7[%swap3A_348, %swap3A_349] {strides = array<i32>} : memref<8x128xf32, #tpu.memory_space<vmem>>, vector<1x16xf32>,
    %swap3A_351 = vector.shape_cast %swap3A_350 : vector<1x16xf32> to vector<16xf32>
    %swap3A_352 = vector.shape_cast %broadcast_in_dim3A_77 : vector<16xf32> to vector<1x16xf32>
    tpu.vector_store %arg7[%swap3A_348, %swap3A_349], %swap3A_352 {strides = array<i32>} : memref<8x128xf32, #tpu.memory_space<vmem>>, vector<1x16xf32>,
    %swap3A_353 = arith.constant 5 : i32
    %swap3A_354 = arith.index_cast %swap3A_353 : i32 to index
    %swap3A_355 = arith.constant 96 : index
    %swap3A_356 = tpu.vector_load %arg7[%swap3A_354, %swap3A_355] {strides = array<i32>} : memref<8x128xf32, #tpu.memory_space<vmem>>, vector<1x16xf32>,
    %swap3A_357 = vector.shape_cast %swap3A_356 : vector<1x16xf32> to vector<16xf32>
    %swap3A_358 = vector.shape_cast %broadcast_in_dim3A_77 : vector<16xf32> to vector<1x16xf32>
    tpu.vector_store %arg7[%swap3A_354, %swap3A_355], %swap3A_358 {strides = array<i32>} : memref<8x128xf32, #tpu.memory_space<vmem>>, vector<1x16xf32>,
    %swap3A_359 = arith.constant 5 : i32
    %swap3A_360 = arith.index_cast %swap3A_359 : i32 to index
    %swap3A_361 = arith.constant 112 : index
    %swap3A_362 = tpu.vector_load %arg7[%swap3A_360, %swap3A_361] {strides = array<i32>} : memref<8x128xf32, #tpu.memory_space<vmem>>, vector<1x16xf32>,
    %swap3A_363 = vector.shape_cast %swap3A_362 : vector<1x16xf32> to vector<16xf32>
    %swap3A_364 = vector.shape_cast %broadcast_in_dim3A_77 : vector<16xf32> to vector<1x16xf32>
    tpu.vector_store %arg7[%swap3A_360, %swap3A_361], %swap3A_364 {strides = array<i32>} : memref<8x128xf32, #tpu.memory_space<vmem>>, vector<1x16xf32>,
    %swap3A_365 = arith.constant 6 : i32
    %swap3A_366 = arith.index_cast %swap3A_365 : i32 to index
    %swap3A_367 = arith.constant 0 : index
    %swap3A_368 = tpu.vector_load %arg7[%swap3A_366, %swap3A_367] {strides = array<i32>} : memref<8x128xf32, #tpu.memory_space<vmem>>, vector<1x16xf32>,
    %swap3A_369 = vector.shape_cast %swap3A_368 : vector<1x16xf32> to vector<16xf32>
    %swap3A_370 = vector.shape_cast %broadcast_in_dim3A_77 : vector<16xf32> to vector<1x16xf32>
    tpu.vector_store %arg7[%swap3A_366, %swap3A_367], %swap3A_370 {strides = array<i32>} : memref<8x128xf32, #tpu.memory_space<vmem>>, vector<1x16xf32>,
    %swap3A_371 = arith.constant 6 : i32
    %swap3A_372 = arith.index_cast %swap3A_371 : i32 to index
    %swap3A_373 = arith.constant 16 : index
    %swap3A_374 = tpu.vector_load %arg7[%swap3A_372, %swap3A_373] {strides = array<i32>} : memref<8x128xf32, #tpu.memory_space<vmem>>, vector<1x16xf32>,
    %swap3A_375 = vector.shape_cast %swap3A_374 : vector<1x16xf32> to vector<16xf32>
    %swap3A_376 = vector.shape_cast %broadcast_in_dim3A_77 : vector<16xf32> to vector<1x16xf32>
    tpu.vector_store %arg7[%swap3A_372, %swap3A_373], %swap3A_376 {strides = array<i32>} : memref<8x128xf32, #tpu.memory_space<vmem>>, vector<1x16xf32>,
    %swap3A_377 = arith.constant 6 : i32
    %swap3A_378 = arith.index_cast %swap3A_377 : i32 to index
    %swap3A_379 = arith.constant 32 : index
    %swap3A_380 = tpu.vector_load %arg7[%swap3A_378, %swap3A_379] {strides = array<i32>} : memref<8x128xf32, #tpu.memory_space<vmem>>, vector<1x16xf32>,
    %swap3A_381 = vector.shape_cast %swap3A_380 : vector<1x16xf32> to vector<16xf32>
    %swap3A_382 = vector.shape_cast %broadcast_in_dim3A_77 : vector<16xf32> to vector<1x16xf32>
    tpu.vector_store %arg7[%swap3A_378, %swap3A_379], %swap3A_382 {strides = array<i32>} : memref<8x128xf32, #tpu.memory_space<vmem>>, vector<1x16xf32>,
    %swap3A_383 = arith.constant 6 : i32
    %swap3A_384 = arith.index_cast %swap3A_383 : i32 to index
    %swap3A_385 = arith.constant 48 : index
    %swap3A_386 = tpu.vector_load %arg7[%swap3A_384, %swap3A_385] {strides = array<i32>} : memref<8x128xf32, #tpu.memory_space<vmem>>, vector<1x16xf32>,
    %swap3A_387 = vector.shape_cast %swap3A_386 : vector<1x16xf32> to vector<16xf32>
    %swap3A_388 = vector.shape_cast %broadcast_in_dim3A_77 : vector<16xf32> to vector<1x16xf32>
    tpu.vector_store %arg7[%swap3A_384, %swap3A_385], %swap3A_388 {strides = array<i32>} : memref<8x128xf32, #tpu.memory_space<vmem>>, vector<1x16xf32>,
    %swap3A_389 = arith.constant 6 : i32
    %swap3A_390 = arith.index_cast %swap3A_389 : i32 to index
    %swap3A_391 = arith.constant 64 : index
    %swap3A_392 = tpu.vector_load %arg7[%swap3A_390, %swap3A_391] {strides = array<i32>} : memref<8x128xf32, #tpu.memory_space<vmem>>, vector<1x16xf32>,
    %swap3A_393 = vector.shape_cast %swap3A_392 : vector<1x16xf32> to vector<16xf32>
    %swap3A_394 = vector.shape_cast %broadcast_in_dim3A_77 : vector<16xf32> to vector<1x16xf32>
    tpu.vector_store %arg7[%swap3A_390, %swap3A_391], %swap3A_394 {strides = array<i32>} : memref<8x128xf32, #tpu.memory_space<vmem>>, vector<1x16xf32>,
    %swap3A_395 = arith.constant 6 : i32
    %swap3A_396 = arith.index_cast %swap3A_395 : i32 to index
    %swap3A_397 = arith.constant 80 : index
    %swap3A_398 = tpu.vector_load %arg7[%swap3A_396, %swap3A_397] {strides = array<i32>} : memref<8x128xf32, #tpu.memory_space<vmem>>, vector<1x16xf32>,
    %swap3A_399 = vector.shape_cast %swap3A_398 : vector<1x16xf32> to vector<16xf32>
    %swap3A_400 = vector.shape_cast %broadcast_in_dim3A_77 : vector<16xf32> to vector<1x16xf32>
    tpu.vector_store %arg7[%swap3A_396, %swap3A_397], %swap3A_400 {strides = array<i32>} : memref<8x128xf32, #tpu.memory_space<vmem>>, vector<1x16xf32>,
    %swap3A_401 = arith.constant 6 : i32
    %swap3A_402 = arith.index_cast %swap3A_401 : i32 to index
    %swap3A_403 = arith.constant 96 : index
    %swap3A_404 = tpu.vector_load %arg7[%swap3A_402, %swap3A_403] {strides = array<i32>} : memref<8x128xf32, #tpu.memory_space<vmem>>, vector<1x16xf32>,
    %swap3A_405 = vector.shape_cast %swap3A_404 : vector<1x16xf32> to vector<16xf32>
    %swap3A_406 = vector.shape_cast %broadcast_in_dim3A_77 : vector<16xf32> to vector<1x16xf32>
    tpu.vector_store %arg7[%swap3A_402, %swap3A_403], %swap3A_406 {strides = array<i32>} : memref<8x128xf32, #tpu.memory_space<vmem>>, vector<1x16xf32>,
    %swap3A_407 = arith.constant 6 : i32
    %swap3A_408 = arith.index_cast %swap3A_407 : i32 to index
    %swap3A_409 = arith.constant 112 : index
    %swap3A_410 = tpu.vector_load %arg7[%swap3A_408, %swap3A_409] {strides = array<i32>} : memref<8x128xf32, #tpu.memory_space<vmem>>, vector<1x16xf32>,
    %swap3A_411 = vector.shape_cast %swap3A_410 : vector<1x16xf32> to vector<16xf32>
    %swap3A_412 = vector.shape_cast %broadcast_in_dim3A_77 : vector<16xf32> to vector<1x16xf32>
    tpu.vector_store %arg7[%swap3A_408, %swap3A_409], %swap3A_412 {strides = array<i32>} : memref<8x128xf32, #tpu.memory_space<vmem>>, vector<1x16xf32>,
    %swap3A_413 = arith.constant 7 : i32
    %swap3A_414 = arith.index_cast %swap3A_413 : i32 to index
    %swap3A_415 = arith.constant 0 : index
    %swap3A_416 = tpu.vector_load %arg7[%swap3A_414, %swap3A_415] {strides = array<i32>} : memref<8x128xf32, #tpu.memory_space<vmem>>, vector<1x16xf32>,
    %swap3A_417 = vector.shape_cast %swap3A_416 : vector<1x16xf32> to vector<16xf32>
    %swap3A_418 = vector.shape_cast %broadcast_in_dim3A_77 : vector<16xf32> to vector<1x16xf32>
    tpu.vector_store %arg7[%swap3A_414, %swap3A_415], %swap3A_418 {strides = array<i32>} : memref<8x128xf32, #tpu.memory_space<vmem>>, vector<1x16xf32>,
    %swap3A_419 = arith.constant 7 : i32
    %swap3A_420 = arith.index_cast %swap3A_419 : i32 to index
    %swap3A_421 = arith.constant 16 : index
    %swap3A_422 = tpu.vector_load %arg7[%swap3A_420, %swap3A_421] {strides = array<i32>} : memref<8x128xf32, #tpu.memory_space<vmem>>, vector<1x16xf32>,
    %swap3A_423 = vector.shape_cast %swap3A_422 : vector<1x16xf32> to vector<16xf32>
    %swap3A_424 = vector.shape_cast %broadcast_in_dim3A_77 : vector<16xf32> to vector<1x16xf32>
    tpu.vector_store %arg7[%swap3A_420, %swap3A_421], %swap3A_424 {strides = array<i32>} : memref<8x128xf32, #tpu.memory_space<vmem>>, vector<1x16xf32>,
    %swap3A_425 = arith.constant 7 : i32
    %swap3A_426 = arith.index_cast %swap3A_425 : i32 to index
    %swap3A_427 = arith.constant 32 : index
    %swap3A_428 = tpu.vector_load %arg7[%swap3A_426, %swap3A_427] {strides = array<i32>} : memref<8x128xf32, #tpu.memory_space<vmem>>, vector<1x16xf32>,
    %swap3A_429 = vector.shape_cast %swap3A_428 : vector<1x16xf32> to vector<16xf32>
    %swap3A_430 = vector.shape_cast %broadcast_in_dim3A_77 : vector<16xf32> to vector<1x16xf32>
    tpu.vector_store %arg7[%swap3A_426, %swap3A_427], %swap3A_430 {strides = array<i32>} : memref<8x128xf32, #tpu.memory_space<vmem>>, vector<1x16xf32>,
    %swap3A_431 = arith.constant 7 : i32
    %swap3A_432 = arith.index_cast %swap3A_431 : i32 to index
    %swap3A_433 = arith.constant 48 : index
    %swap3A_434 = tpu.vector_load %arg7[%swap3A_432, %swap3A_433] {strides = array<i32>} : memref<8x128xf32, #tpu.memory_space<vmem>>, vector<1x16xf32>,
    %swap3A_435 = vector.shape_cast %swap3A_434 : vector<1x16xf32> to vector<16xf32>
    %swap3A_436 = vector.shape_cast %broadcast_in_dim3A_77 : vector<16xf32> to vector<1x16xf32>
    tpu.vector_store %arg7[%swap3A_432, %swap3A_433], %swap3A_436 {strides = array<i32>} : memref<8x128xf32, #tpu.memory_space<vmem>>, vector<1x16xf32>,
    %swap3A_437 = arith.constant 7 : i32
    %swap3A_438 = arith.index_cast %swap3A_437 : i32 to index
    %swap3A_439 = arith.constant 64 : index
    %swap3A_440 = tpu.vector_load %arg7[%swap3A_438, %swap3A_439] {strides = array<i32>} : memref<8x128xf32, #tpu.memory_space<vmem>>, vector<1x16xf32>,
    %swap3A_441 = vector.shape_cast %swap3A_440 : vector<1x16xf32> to vector<16xf32>
    %swap3A_442 = vector.shape_cast %broadcast_in_dim3A_77 : vector<16xf32> to vector<1x16xf32>
    tpu.vector_store %arg7[%swap3A_438, %swap3A_439], %swap3A_442 {strides = array<i32>} : memref<8x128xf32, #tpu.memory_space<vmem>>, vector<1x16xf32>,
    %swap3A_443 = arith.constant 7 : i32
    %swap3A_444 = arith.index_cast %swap3A_443 : i32 to index
    %swap3A_445 = arith.constant 80 : index
    %swap3A_446 = tpu.vector_load %arg7[%swap3A_444, %swap3A_445] {strides = array<i32>} : memref<8x128xf32, #tpu.memory_space<vmem>>, vector<1x16xf32>,
    %swap3A_447 = vector.shape_cast %swap3A_446 : vector<1x16xf32> to vector<16xf32>
    %swap3A_448 = vector.shape_cast %broadcast_in_dim3A_77 : vector<16xf32> to vector<1x16xf32>
    tpu.vector_store %arg7[%swap3A_444, %swap3A_445], %swap3A_448 {strides = array<i32>} : memref<8x128xf32, #tpu.memory_space<vmem>>, vector<1x16xf32>,
    %swap3A_449 = arith.constant 7 : i32
    %swap3A_450 = arith.index_cast %swap3A_449 : i32 to index
    %swap3A_451 = arith.constant 96 : index
    %swap3A_452 = tpu.vector_load %arg7[%swap3A_450, %swap3A_451] {strides = array<i32>} : memref<8x128xf32, #tpu.memory_space<vmem>>, vector<1x16xf32>,
    %swap3A_453 = vector.shape_cast %swap3A_452 : vector<1x16xf32> to vector<16xf32>
    %swap3A_454 = vector.shape_cast %broadcast_in_dim3A_77 : vector<16xf32> to vector<1x16xf32>
    tpu.vector_store %arg7[%swap3A_450, %swap3A_451], %swap3A_454 {strides = array<i32>} : memref<8x128xf32, #tpu.memory_space<vmem>>, vector<1x16xf32>,
    %swap3A_455 = arith.constant 7 : i32
    %swap3A_456 = arith.index_cast %swap3A_455 : i32 to index
    %swap3A_457 = arith.constant 112 : index
    %swap3A_458 = tpu.vector_load %arg7[%swap3A_456, %swap3A_457] {strides = array<i32>} : memref<8x128xf32, #tpu.memory_space<vmem>>, vector<1x16xf32>,
    %swap3A_459 = vector.shape_cast %swap3A_458 : vector<1x16xf32> to vector<16xf32>
    %swap3A_460 = vector.shape_cast %broadcast_in_dim3A_77 : vector<16xf32> to vector<1x16xf32>
    tpu.vector_store %arg7[%swap3A_456, %swap3A_457], %swap3A_460 {strides = array<i32>} : memref<8x128xf32, #tpu.memory_space<vmem>>, vector<1x16xf32>,
    %mul3A_461 = arith.constant 64 : i32
    %mul3A_462 = arith.muli %arg1, %mul3A_461 : i32
    %add3A_463 = arith.constant 0 : i32
    %add3A_464 = arith.addi %mul3A_462, %add3A_463 : i32
    %dma_start3A_465 = arith.constant 0 : i32
    %dma_start3A_466 = tpu.memref_slice %arg8[%add3A_464, %dma_start3A_465] : memref<1024x128xf32, #tpu.memory_space<vmem_shared>> -> memref<8x128xf32, #tpu.memory_space<vmem_shared>>
    %dma_start3A_467 = arith.constant 0 : i32
    %dma_start3A_468 = tpu.memref_slice %arg8[%add3A_464, %dma_start3A_467] : memref<1024x128xf32, #tpu.memory_space<vmem_shared>> -> memref<8x128xf32, #tpu.memory_space<vmem_shared>>
    tpu.enqueue_dma source(%arg7 : memref<8x128xf32, #tpu.memory_space<vmem>>) target(%dma_start3A_468 : memref<8x128xf32, #tpu.memory_space<vmem_shared>>) target_semaphore(%arg12 : memref<!tpu.dma_semaphore, #tpu.memory_space<semaphore_mem>>)
    %mul3A_469 = arith.constant 64 : i32
    %mul3A_470 = arith.muli %arg1, %mul3A_469 : i32
    %add3A_471 = arith.constant 8 : i32
    %add3A_472 = arith.addi %mul3A_470, %add3A_471 : i32
    %dma_start3A_473 = arith.constant 0 : i32
    %dma_start3A_474 = tpu.memref_slice %arg8[%add3A_472, %dma_start3A_473] : memref<1024x128xf32, #tpu.memory_space<vmem_shared>> -> memref<8x128xf32, #tpu.memory_space<vmem_shared>>
    %dma_start3A_475 = arith.constant 0 : i32
    %dma_start3A_476 = tpu.memref_slice %arg8[%add3A_472, %dma_start3A_475] : memref<1024x128xf32, #tpu.memory_space<vmem_shared>> -> memref<8x128xf32, #tpu.memory_space<vmem_shared>>
    tpu.enqueue_dma source(%arg7 : memref<8x128xf32, #tpu.memory_space<vmem>>) target(%dma_start3A_476 : memref<8x128xf32, #tpu.memory_space<vmem_shared>>) target_semaphore(%arg12 : memref<!tpu.dma_semaphore, #tpu.memory_space<semaphore_mem>>)
    %mul3A_477 = arith.constant 64 : i32
    %mul3A_478 = arith.muli %arg1, %mul3A_477 : i32
    %add3A_479 = arith.constant 16 : i32
    %add3A_480 = arith.addi %mul3A_478, %add3A_479 : i32
    %dma_start3A_481 = arith.constant 0 : i32
    %dma_start3A_482 = tpu.memref_slice %arg8[%add3A_480, %dma_start3A_481] : memref<1024x128xf32, #tpu.memory_space<vmem_shared>> -> memref<8x128xf32, #tpu.memory_space<vmem_shared>>
    %dma_start3A_483 = arith.constant 0 : i32
    %dma_start3A_484 = tpu.memref_slice %arg8[%add3A_480, %dma_start3A_483] : memref<1024x128xf32, #tpu.memory_space<vmem_shared>> -> memref<8x128xf32, #tpu.memory_space<vmem_shared>>
    tpu.enqueue_dma source(%arg7 : memref<8x128xf32, #tpu.memory_space<vmem>>) target(%dma_start3A_484 : memref<8x128xf32, #tpu.memory_space<vmem_shared>>) target_semaphore(%arg12 : memref<!tpu.dma_semaphore, #tpu.memory_space<semaphore_mem>>)
    %mul3A_485 = arith.constant 64 : i32
    %mul3A_486 = arith.muli %arg1, %mul3A_485 : i32
    %add3A_487 = arith.constant 24 : i32
    %add3A_488 = arith.addi %mul3A_486, %add3A_487 : i32
    %dma_start3A_489 = arith.constant 0 : i32
    %dma_start3A_490 = tpu.memref_slice %arg8[%add3A_488, %dma_start3A_489] : memref<1024x128xf32, #tpu.memory_space<vmem_shared>> -> memref<8x128xf32, #tpu.memory_space<vmem_shared>>
    %dma_start3A_491 = arith.constant 0 : i32
    %dma_start3A_492 = tpu.memref_slice %arg8[%add3A_488, %dma_start3A_491] : memref<1024x128xf32, #tpu.memory_space<vmem_shared>> -> memref<8x128xf32, #tpu.memory_space<vmem_shared>>
    tpu.enqueue_dma source(%arg7 : memref<8x128xf32, #tpu.memory_space<vmem>>) target(%dma_start3A_492 : memref<8x128xf32, #tpu.memory_space<vmem_shared>>) target_semaphore(%arg12 : memref<!tpu.dma_semaphore, #tpu.memory_space<semaphore_mem>>)
    %mul3A_493 = arith.constant 64 : i32
    %mul3A_494 = arith.muli %arg1, %mul3A_493 : i32
    %add3A_495 = arith.constant 32 : i32
    %add3A_496 = arith.addi %mul3A_494, %add3A_495 : i32
    %dma_start3A_497 = arith.constant 0 : i32
    %dma_start3A_498 = tpu.memref_slice %arg8[%add3A_496, %dma_start3A_497] : memref<1024x128xf32, #tpu.memory_space<vmem_shared>> -> memref<8x128xf32, #tpu.memory_space<vmem_shared>>
    %dma_start3A_499 = arith.constant 0 : i32
    %dma_start3A_500 = tpu.memref_slice %arg8[%add3A_496, %dma_start3A_499] : memref<1024x128xf32, #tpu.memory_space<vmem_shared>> -> memref<8x128xf32, #tpu.memory_space<vmem_shared>>
    tpu.enqueue_dma source(%arg7 : memref<8x128xf32, #tpu.memory_space<vmem>>) target(%dma_start3A_500 : memref<8x128xf32, #tpu.memory_space<vmem_shared>>) target_semaphore(%arg12 : memref<!tpu.dma_semaphore, #tpu.memory_space<semaphore_mem>>)
    %mul3A_501 = arith.constant 64 : i32
    %mul3A_502 = arith.muli %arg1, %mul3A_501 : i32
    %add3A_503 = arith.constant 40 : i32
    %add3A_504 = arith.addi %mul3A_502, %add3A_503 : i32
    %dma_start3A_505 = arith.constant 0 : i32
    %dma_start3A_506 = tpu.memref_slice %arg8[%add3A_504, %dma_start3A_505] : memref<1024x128xf32, #tpu.memory_space<vmem_shared>> -> memref<8x128xf32, #tpu.memory_space<vmem_shared>>
    %dma_start3A_507 = arith.constant 0 : i32
    %dma_start3A_508 = tpu.memref_slice %arg8[%add3A_504, %dma_start3A_507] : memref<1024x128xf32, #tpu.memory_space<vmem_shared>> -> memref<8x128xf32, #tpu.memory_space<vmem_shared>>
    tpu.enqueue_dma source(%arg7 : memref<8x128xf32, #tpu.memory_space<vmem>>) target(%dma_start3A_508 : memref<8x128xf32, #tpu.memory_space<vmem_shared>>) target_semaphore(%arg12 : memref<!tpu.dma_semaphore, #tpu.memory_space<semaphore_mem>>)
    %mul3A_509 = arith.constant 64 : i32
    %mul3A_510 = arith.muli %arg1, %mul3A_509 : i32
    %add3A_511 = arith.constant 48 : i32
    %add3A_512 = arith.addi %mul3A_510, %add3A_511 : i32
    %dma_start3A_513 = arith.constant 0 : i32
    %dma_start3A_514 = tpu.memref_slice %arg8[%add3A_512, %dma_start3A_513] : memref<1024x128xf32, #tpu.memory_space<vmem_shared>> -> memref<8x128xf32, #tpu.memory_space<vmem_shared>>
    %dma_start3A_515 = arith.constant 0 : i32
    %dma_start3A_516 = tpu.memref_slice %arg8[%add3A_512, %dma_start3A_515] : memref<1024x128xf32, #tpu.memory_space<vmem_shared>> -> memref<8x128xf32, #tpu.memory_space<vmem_shared>>
    tpu.enqueue_dma source(%arg7 : memref<8x128xf32, #tpu.memory_space<vmem>>) target(%dma_start3A_516 : memref<8x128xf32, #tpu.memory_space<vmem_shared>>) target_semaphore(%arg12 : memref<!tpu.dma_semaphore, #tpu.memory_space<semaphore_mem>>)
    %mul3A_517 = arith.constant 64 : i32
    %mul3A_518 = arith.muli %arg1, %mul3A_517 : i32
    %add3A_519 = arith.constant 56 : i32
    %add3A_520 = arith.addi %mul3A_518, %add3A_519 : i32
    %dma_start3A_521 = arith.constant 0 : i32
    %dma_start3A_522 = tpu.memref_slice %arg8[%add3A_520, %dma_start3A_521] : memref<1024x128xf32, #tpu.memory_space<vmem_shared>> -> memref<8x128xf32, #tpu.memory_space<vmem_shared>>
    %dma_start3A_523 = arith.constant 0 : i32
    %dma_start3A_524 = tpu.memref_slice %arg8[%add3A_520, %dma_start3A_523] : memref<1024x128xf32, #tpu.memory_space<vmem_shared>> -> memref<8x128xf32, #tpu.memory_space<vmem_shared>>
    tpu.enqueue_dma source(%arg7 : memref<8x128xf32, #tpu.memory_space<vmem>>) target(%dma_start3A_524 : memref<8x128xf32, #tpu.memory_space<vmem_shared>>) target_semaphore(%arg12 : memref<!tpu.dma_semaphore, #tpu.memory_space<semaphore_mem>>)
    %mul3A_525 = arith.constant 64 : i32
    %mul3A_526 = arith.muli %arg1, %mul3A_525 : i32
    %add3A_527 = arith.constant 0 : i32
    %add3A_528 = arith.addi %mul3A_526, %add3A_527 : i32
    %dma_wait3A = arith.constant 0 : i32
    %dma_wait3A_529 = tpu.memref_slice %arg8[%add3A_528, %dma_wait3A] : memref<1024x128xf32, #tpu.memory_space<vmem_shared>> -> memref<8x128xf32, #tpu.memory_space<vmem_shared>>
    %dma_wait3A_530 = arith.constant 0 : i32
    %dma_wait3A_531 = tpu.memref_slice %arg8[%add3A_528, %dma_wait3A_530] : memref<1024x128xf32, #tpu.memory_space<vmem_shared>> -> memref<8x128xf32, #tpu.memory_space<vmem_shared>>
    tpu.wait_dma2 semaphore(%arg12 : memref<!tpu.dma_semaphore, #tpu.memory_space<semaphore_mem>>) src(%arg7 : memref<8x128xf32, #tpu.memory_space<vmem>>) dst(%dma_wait3A_531 : memref<8x128xf32, #tpu.memory_space<vmem_shared>>)
    %mul3A_532 = arith.constant 64 : i32
    %mul3A_533 = arith.muli %arg1, %mul3A_532 : i32
    %add3A_534 = arith.constant 8 : i32
    %add3A_535 = arith.addi %mul3A_533, %add3A_534 : i32
    %dma_wait3A_536 = arith.constant 0 : i32
    %dma_wait3A_537 = tpu.memref_slice %arg8[%add3A_535, %dma_wait3A_536] : memref<1024x128xf32, #tpu.memory_space<vmem_shared>> -> memref<8x128xf32, #tpu.memory_space<vmem_shared>>
    %dma_wait3A_538 = arith.constant 0 : i32
    %dma_wait3A_539 = tpu.memref_slice %arg8[%add3A_535, %dma_wait3A_538] : memref<1024x128xf32, #tpu.memory_space<vmem_shared>> -> memref<8x128xf32, #tpu.memory_space<vmem_shared>>
    tpu.wait_dma2 semaphore(%arg12 : memref<!tpu.dma_semaphore, #tpu.memory_space<semaphore_mem>>) src(%arg7 : memref<8x128xf32, #tpu.memory_space<vmem>>) dst(%dma_wait3A_539 : memref<8x128xf32, #tpu.memory_space<vmem_shared>>)
    %mul3A_540 = arith.constant 64 : i32
    %mul3A_541 = arith.muli %arg1, %mul3A_540 : i32
    %add3A_542 = arith.constant 16 : i32
    %add3A_543 = arith.addi %mul3A_541, %add3A_542 : i32
    %dma_wait3A_544 = arith.constant 0 : i32
    %dma_wait3A_545 = tpu.memref_slice %arg8[%add3A_543, %dma_wait3A_544] : memref<1024x128xf32, #tpu.memory_space<vmem_shared>> -> memref<8x128xf32, #tpu.memory_space<vmem_shared>>
    %dma_wait3A_546 = arith.constant 0 : i32
    %dma_wait3A_547 = tpu.memref_slice %arg8[%add3A_543, %dma_wait3A_546] : memref<1024x128xf32, #tpu.memory_space<vmem_shared>> -> memref<8x128xf32, #tpu.memory_space<vmem_shared>>
    tpu.wait_dma2 semaphore(%arg12 : memref<!tpu.dma_semaphore, #tpu.memory_space<semaphore_mem>>) src(%arg7 : memref<8x128xf32, #tpu.memory_space<vmem>>) dst(%dma_wait3A_547 : memref<8x128xf32, #tpu.memory_space<vmem_shared>>)
    %mul3A_548 = arith.constant 64 : i32
    %mul3A_549 = arith.muli %arg1, %mul3A_548 : i32
    %add3A_550 = arith.constant 24 : i32
    %add3A_551 = arith.addi %mul3A_549, %add3A_550 : i32
    %dma_wait3A_552 = arith.constant 0 : i32
    %dma_wait3A_553 = tpu.memref_slice %arg8[%add3A_551, %dma_wait3A_552] : memref<1024x128xf32, #tpu.memory_space<vmem_shared>> -> memref<8x128xf32, #tpu.memory_space<vmem_shared>>
    %dma_wait3A_554 = arith.constant 0 : i32
    %dma_wait3A_555 = tpu.memref_slice %arg8[%add3A_551, %dma_wait3A_554] : memref<1024x128xf32, #tpu.memory_space<vmem_shared>> -> memref<8x128xf32, #tpu.memory_space<vmem_shared>>
    tpu.wait_dma2 semaphore(%arg12 : memref<!tpu.dma_semaphore, #tpu.memory_space<semaphore_mem>>) src(%arg7 : memref<8x128xf32, #tpu.memory_space<vmem>>) dst(%dma_wait3A_555 : memref<8x128xf32, #tpu.memory_space<vmem_shared>>)
    %mul3A_556 = arith.constant 64 : i32
    %mul3A_557 = arith.muli %arg1, %mul3A_556 : i32
    %add3A_558 = arith.constant 32 : i32
    %add3A_559 = arith.addi %mul3A_557, %add3A_558 : i32
    %dma_wait3A_560 = arith.constant 0 : i32
    %dma_wait3A_561 = tpu.memref_slice %arg8[%add3A_559, %dma_wait3A_560] : memref<1024x128xf32, #tpu.memory_space<vmem_shared>> -> memref<8x128xf32, #tpu.memory_space<vmem_shared>>
    %dma_wait3A_562 = arith.constant 0 : i32
    %dma_wait3A_563 = tpu.memref_slice %arg8[%add3A_559, %dma_wait3A_562] : memref<1024x128xf32, #tpu.memory_space<vmem_shared>> -> memref<8x128xf32, #tpu.memory_space<vmem_shared>>
    tpu.wait_dma2 semaphore(%arg12 : memref<!tpu.dma_semaphore, #tpu.memory_space<semaphore_mem>>) src(%arg7 : memref<8x128xf32, #tpu.memory_space<vmem>>) dst(%dma_wait3A_563 : memref<8x128xf32, #tpu.memory_space<vmem_shared>>)
    %mul3A_564 = arith.constant 64 : i32
    %mul3A_565 = arith.muli %arg1, %mul3A_564 : i32
    %add3A_566 = arith.constant 40 : i32
    %add3A_567 = arith.addi %mul3A_565, %add3A_566 : i32
    %dma_wait3A_568 = arith.constant 0 : i32
    %dma_wait3A_569 = tpu.memref_slice %arg8[%add3A_567, %dma_wait3A_568] : memref<1024x128xf32, #tpu.memory_space<vmem_shared>> -> memref<8x128xf32, #tpu.memory_space<vmem_shared>>
    %dma_wait3A_570 = arith.constant 0 : i32
    %dma_wait3A_571 = tpu.memref_slice %arg8[%add3A_567, %dma_wait3A_570] : memref<1024x128xf32, #tpu.memory_space<vmem_shared>> -> memref<8x128xf32, #tpu.memory_space<vmem_shared>>
    tpu.wait_dma2 semaphore(%arg12 : memref<!tpu.dma_semaphore, #tpu.memory_space<semaphore_mem>>) src(%arg7 : memref<8x128xf32, #tpu.memory_space<vmem>>) dst(%dma_wait3A_571 : memref<8x128xf32, #tpu.memory_space<vmem_shared>>)
    %mul3A_572 = arith.constant 64 : i32
    %mul3A_573 = arith.muli %arg1, %mul3A_572 : i32
    %add3A_574 = arith.constant 48 : i32
    %add3A_575 = arith.addi %mul3A_573, %add3A_574 : i32
    %dma_wait3A_576 = arith.constant 0 : i32
    %dma_wait3A_577 = tpu.memref_slice %arg8[%add3A_575, %dma_wait3A_576] : memref<1024x128xf32, #tpu.memory_space<vmem_shared>> -> memref<8x128xf32, #tpu.memory_space<vmem_shared>>
    %dma_wait3A_578 = arith.constant 0 : i32
    %dma_wait3A_579 = tpu.memref_slice %arg8[%add3A_575, %dma_wait3A_578] : memref<1024x128xf32, #tpu.memory_space<vmem_shared>> -> memref<8x128xf32, #tpu.memory_space<vmem_shared>>
    tpu.wait_dma2 semaphore(%arg12 : memref<!tpu.dma_semaphore, #tpu.memory_space<semaphore_mem>>) src(%arg7 : memref<8x128xf32, #tpu.memory_space<vmem>>) dst(%dma_wait3A_579 : memref<8x128xf32, #tpu.memory_space<vmem_shared>>)
    %mul3A_580 = arith.constant 64 : i32
    %mul3A_581 = arith.muli %arg1, %mul3A_580 : i32
    %add3A_582 = arith.constant 56 : i32
    %add3A_583 = arith.addi %mul3A_581, %add3A_582 : i32
    %dma_wait3A_584 = arith.constant 0 : i32
    %dma_wait3A_585 = tpu.memref_slice %arg8[%add3A_583, %dma_wait3A_584] : memref<1024x128xf32, #tpu.memory_space<vmem_shared>> -> memref<8x128xf32, #tpu.memory_space<vmem_shared>>
    %dma_wait3A_586 = arith.constant 0 : i32
    %dma_wait3A_587 = tpu.memref_slice %arg8[%add3A_583, %dma_wait3A_586] : memref<1024x128xf32, #tpu.memory_space<vmem_shared>> -> memref<8x128xf32, #tpu.memory_space<vmem_shared>>
    tpu.wait_dma2 semaphore(%arg12 : memref<!tpu.dma_semaphore, #tpu.memory_space<semaphore_mem>>) src(%arg7 : memref<8x128xf32, #tpu.memory_space<vmem>>) dst(%dma_wait3A_587 : memref<8x128xf32, #tpu.memory_space<vmem_shared>>)
    %barrier3A = arith.constant 0 : index
    tpu.barrier barrier_id(%barrier3A)
    %scan3A = arith.constant 0 : i32
    %scan3A_588 = arith.constant 0 : i32
    %scan3A_589 = arith.constant 10 : i32
    %scan3A_590 = arith.addi %scan3A_588, %scan3A_589 : i32
    %scan3A_591 = arith.constant 1 : i32
    scf.for %scan3A_622 = %scan3A_588 to %scan3A_590 step %scan3A_591  : i32 {
      %mul3A_623 = arith.constant 32 : i32
      %mul3A_624 = arith.muli %scan3A_622, %mul3A_623 : i32
      %add3A_625 = arith.addi %add3A, %mul3A_624 : i32
      %rem3A = arith.constant 3 : i32
      %rem3A_626 = arith.remsi %scan3A_622, %rem3A : i32
      %lt3A = arith.constant 312 : i32
      %lt3A_627 = arith.cmpi slt, %add3A_625, %lt3A : i32
      %convert_element_type3A = arith.extui %lt3A_627 : i1 to i32
      %cond3A = arith.constant 0 : i32
      %cond3A_628 = arith.cmpi ne, %convert_element_type3A, %cond3A : i32
      scf.if %cond3A_628 {
        %mul3A_629 = arith.constant 256 : i32
        %mul3A_630 = arith.muli %add3A_625, %mul3A_629 : i32
        %multiple_of3A_631 = tpu.assume_multiple %mul3A_630, 256 : i32
        %add3A_632 = arith.constant 0 : i32
        %add3A_633 = arith.addi %multiple_of3A_631, %add3A_632 : i32
        %mul3A_634 = arith.constant 2 : i32
        %mul3A_635 = arith.muli %mul3A_634, %rem3A_626 : i32
        %add3A_636 = arith.constant 0 : i32
        %add3A_637 = arith.addi %mul3A_635, %add3A_636 : i32
        %dma_wait3A_638 = arith.constant 0 : i32
        %dma_wait3A_639 = tpu.memref_slice %arg5[%add3A_637, %dma_wait3A_638] : memref<6x128xi32, #tpu.memory_space<vmem>> -> memref<1x128xi32, #tpu.memory_space<vmem>>
        %dma_wait3A_640 = tpu.memref_squeeze %dma_wait3A_639 : memref<1x128xi32, #tpu.memory_space<vmem>> -> memref<128xi32, #tpu.memory_space<vmem>>
        %dma_wait3A_641 = tpu.memref_slice %arg3[%add3A_633] : memref<100000xi32, #tpu.memory_space<hbm>> -> memref<128xi32, #tpu.memory_space<hbm>>
        %dma_wait3A_642 = arith.constant 0 : i32
        %dma_wait3A_643 = tpu.memref_slice %arg5[%add3A_637, %dma_wait3A_642] : memref<6x128xi32, #tpu.memory_space<vmem>> -> memref<1x128xi32, #tpu.memory_space<vmem>>
        %dma_wait3A_644 = tpu.memref_squeeze %dma_wait3A_643 : memref<1x128xi32, #tpu.memory_space<vmem>> -> memref<128xi32, #tpu.memory_space<vmem>>
        %dma_wait3A_645 = tpu.memref_slice %arg3[%add3A_633] : memref<100000xi32, #tpu.memory_space<hbm>> -> memref<128xi32, #tpu.memory_space<hbm>>
        tpu.wait_dma2 semaphore(%arg9 : memref<!tpu.dma_semaphore, #tpu.memory_space<semaphore_mem>>) src(%dma_wait3A_645 : memref<128xi32, #tpu.memory_space<hbm>>) dst(%dma_wait3A_644 : memref<128xi32, #tpu.memory_space<vmem>>)
        %add3A_646 = arith.constant 128 : i32
        %add3A_647 = arith.addi %multiple_of3A_631, %add3A_646 : i32
        %mul3A_648 = arith.constant 2 : i32
        %mul3A_649 = arith.muli %mul3A_648, %rem3A_626 : i32
        %add3A_650 = arith.constant 1 : i32
        %add3A_651 = arith.addi %mul3A_649, %add3A_650 : i32
        %dma_wait3A_652 = arith.constant 0 : i32
        %dma_wait3A_653 = tpu.memref_slice %arg5[%add3A_651, %dma_wait3A_652] : memref<6x128xi32, #tpu.memory_space<vmem>> -> memref<1x128xi32, #tpu.memory_space<vmem>>
        %dma_wait3A_654 = tpu.memref_squeeze %dma_wait3A_653 : memref<1x128xi32, #tpu.memory_space<vmem>> -> memref<128xi32, #tpu.memory_space<vmem>>
        %dma_wait3A_655 = tpu.memref_slice %arg3[%add3A_647] : memref<100000xi32, #tpu.memory_space<hbm>> -> memref<128xi32, #tpu.memory_space<hbm>>
        %dma_wait3A_656 = arith.constant 0 : i32
        %dma_wait3A_657 = tpu.memref_slice %arg5[%add3A_651, %dma_wait3A_656] : memref<6x128xi32, #tpu.memory_space<vmem>> -> memref<1x128xi32, #tpu.memory_space<vmem>>
        %dma_wait3A_658 = tpu.memref_squeeze %dma_wait3A_657 : memref<1x128xi32, #tpu.memory_space<vmem>> -> memref<128xi32, #tpu.memory_space<vmem>>
        %dma_wait3A_659 = tpu.memref_slice %arg3[%add3A_647] : memref<100000xi32, #tpu.memory_space<hbm>> -> memref<128xi32, #tpu.memory_space<hbm>>
        tpu.wait_dma2 semaphore(%arg9 : memref<!tpu.dma_semaphore, #tpu.memory_space<semaphore_mem>>) src(%dma_wait3A_659 : memref<128xi32, #tpu.memory_space<hbm>>) dst(%dma_wait3A_658 : memref<128xi32, #tpu.memory_space<vmem>>)
        %dma_wait3A_660 = arith.constant 0 : i32
        %dma_wait3A_661 = arith.constant 0 : i32
        %dma_wait3A_662 = tpu.memref_slice %arg6[%rem3A_626, %dma_wait3A_660, %dma_wait3A_661] : memref<3x256x128xf32, #tpu.memory_space<vmem>> -> memref<1x256x128xf32, #tpu.memory_space<vmem>>
        %dma_wait3A_663 = tpu.memref_squeeze %dma_wait3A_662 : memref<1x256x128xf32, #tpu.memory_space<vmem>> -> memref<256x128xf32, #tpu.memory_space<vmem>>
        %dma_wait3A_664 = arith.constant 0 : i32
        %dma_wait3A_665 = tpu.memref_slice %arg2[%multiple_of3A_631, %dma_wait3A_664] : memref<100000x128xf32, #tpu.memory_space<hbm>> -> memref<256x128xf32, #tpu.memory_space<hbm>>
        %dma_wait3A_666 = arith.constant 0 : i32
        %dma_wait3A_667 = arith.constant 0 : i32
        %dma_wait3A_668 = tpu.memref_slice %arg6[%rem3A_626, %dma_wait3A_666, %dma_wait3A_667] : memref<3x256x128xf32, #tpu.memory_space<vmem>> -> memref<1x256x128xf32, #tpu.memory_space<vmem>>
        %dma_wait3A_669 = tpu.memref_squeeze %dma_wait3A_668 : memref<1x256x128xf32, #tpu.memory_space<vmem>> -> memref<256x128xf32, #tpu.memory_space<vmem>>
        %dma_wait3A_670 = arith.constant 0 : i32
        %dma_wait3A_671 = tpu.memref_slice %arg2[%multiple_of3A_631, %dma_wait3A_670] : memref<100000x128xf32, #tpu.memory_space<hbm>> -> memref<256x128xf32, #tpu.memory_space<hbm>>
        tpu.wait_dma2 semaphore(%arg10 : memref<!tpu.dma_semaphore, #tpu.memory_space<semaphore_mem>>) src(%dma_wait3A_671 : memref<256x128xf32, #tpu.memory_space<hbm>>) dst(%dma_wait3A_669 : memref<256x128xf32, #tpu.memory_space<vmem>>)
        %ge3A = arith.constant 1 : i32
        %ge3A_672 = arith.cmpi sge, %scan3A_622, %ge3A : i32
        %convert_element_type3A_673 = arith.extui %ge3A_672 : i1 to i32
        %cond3A_674 = arith.constant 0 : i32
        %cond3A_675 = arith.cmpi ne, %convert_element_type3A_673, %cond3A_674 : i32
        scf.if %cond3A_675 {
          %add3A_711 = arith.constant 3 : i32
          %add3A_712 = arith.addi %scan3A_622, %add3A_711 : i32
          %sub3A = arith.constant 1 : i32
          %sub3A_713 = arith.subi %add3A_712, %sub3A : i32
          %rem3A_714 = arith.constant 3 : i32
          %rem3A_715 = arith.remsi %sub3A_713, %rem3A_714 : i32
          %mul3A_716 = arith.constant 2 : i32
          %mul3A_717 = arith.muli %mul3A_716, %rem3A_715 : i32
          %dma_wait3A_718 = arith.constant 0 : i32
          %dma_wait3A_719 = arith.constant 0 : i32
          %dma_wait3A_720 = tpu.memref_slice %arg6[%rem3A_715, %dma_wait3A_718, %dma_wait3A_719] : memref<3x256x128xf32, #tpu.memory_space<vmem>> -> memref<1x128x128xf32, #tpu.memory_space<vmem>>
          %dma_wait3A_721 = tpu.memref_squeeze %dma_wait3A_720 : memref<1x128x128xf32, #tpu.memory_space<vmem>> -> memref<128x128xf32, #tpu.memory_space<vmem>>
          %dma_wait3A_722 = arith.constant 0 : i32
          %dma_wait3A_723 = tpu.memref_slice %arg5[%mul3A_717, %dma_wait3A_722] : memref<6x128xi32, #tpu.memory_space<vmem>> -> memref<1x128xi32, #tpu.memory_space<vmem>>
          %dma_wait3A_724 = tpu.memref_squeeze %dma_wait3A_723 : memref<1x128xi32, #tpu.memory_space<vmem>> -> memref<128xi32, #tpu.memory_space<vmem>>
          %dma_wait3A_725 = arith.constant 0 : i32
          %dma_wait3A_726 = arith.constant 0 : i32
          %dma_wait3A_727 = tpu.memref_slice %arg8[%dma_wait3A_725, %dma_wait3A_726] : memref<1024x128xf32, #tpu.memory_space<vmem_shared>> -> memref<1024x128xf32, #tpu.memory_space<vmem_shared>>
          tpu.wait_indirect_dma semaphore(%arg11 : memref<!tpu.dma_semaphore, #tpu.memory_space<semaphore_mem>>) src(%dma_wait3A_721 : memref<128x128xf32, #tpu.memory_space<vmem>>) dst(%dma_wait3A_727 : memref<1024x128xf32, #tpu.memory_space<vmem_shared>>)
          %mul3A_728 = arith.constant 2 : i32
          %mul3A_729 = arith.muli %mul3A_728, %rem3A_715 : i32
          %dma_wait3A_730 = arith.constant 0 : i32
          %dma_wait3A_731 = arith.constant 0 : i32
          %dma_wait3A_732 = tpu.memref_slice %arg6[%rem3A_715, %dma_wait3A_730, %dma_wait3A_731] : memref<3x256x128xf32, #tpu.memory_space<vmem>> -> memref<1x128x128xf32, #tpu.memory_space<vmem>>
          %dma_wait3A_733 = tpu.memref_squeeze %dma_wait3A_732 : memref<1x128x128xf32, #tpu.memory_space<vmem>> -> memref<128x128xf32, #tpu.memory_space<vmem>>
          %dma_wait3A_734 = arith.constant 0 : i32
          %dma_wait3A_735 = tpu.memref_slice %arg5[%mul3A_729, %dma_wait3A_734] : memref<6x128xi32, #tpu.memory_space<vmem>> -> memref<1x128xi32, #tpu.memory_space<vmem>>
          %dma_wait3A_736 = tpu.memref_squeeze %dma_wait3A_735 : memref<1x128xi32, #tpu.memory_space<vmem>> -> memref<128xi32, #tpu.memory_space<vmem>>
          %dma_wait3A_737 = arith.constant 0 : i32
          %dma_wait3A_738 = arith.constant 0 : i32
          %dma_wait3A_739 = tpu.memref_slice %arg8[%dma_wait3A_737, %dma_wait3A_738] : memref<1024x128xf32, #tpu.memory_space<vmem_shared>> -> memref<1024x128xf32, #tpu.memory_space<vmem_shared>>
          tpu.wait_indirect_dma semaphore(%arg11 : memref<!tpu.dma_semaphore, #tpu.memory_space<semaphore_mem>>) src(%dma_wait3A_733 : memref<128x128xf32, #tpu.memory_space<vmem>>) dst(%dma_wait3A_739 : memref<1024x128xf32, #tpu.memory_space<vmem_shared>>)
        } else {
        }
        %mul3A_676 = arith.constant 2 : i32
        %mul3A_677 = arith.muli %mul3A_676, %rem3A_626 : i32
        %add3A_678 = arith.constant 0 : i32
        %add3A_679 = arith.addi %mul3A_677, %add3A_678 : i32
        %dma_start3A_680 = arith.constant 0 : i32
        %dma_start3A_681 = arith.constant 0 : i32
        %dma_start3A_682 = tpu.memref_slice %arg6[%rem3A_626, %dma_start3A_680, %dma_start3A_681] : memref<3x256x128xf32, #tpu.memory_space<vmem>> -> memref<1x128x128xf32, #tpu.memory_space<vmem>>
        %dma_start3A_683 = tpu.memref_squeeze %dma_start3A_682 : memref<1x128x128xf32, #tpu.memory_space<vmem>> -> memref<128x128xf32, #tpu.memory_space<vmem>>
        %dma_start3A_684 = arith.constant 0 : i32
        %dma_start3A_685 = tpu.memref_slice %arg5[%add3A_679, %dma_start3A_684] : memref<6x128xi32, #tpu.memory_space<vmem>> -> memref<1x128xi32, #tpu.memory_space<vmem>>
        %dma_start3A_686 = tpu.memref_squeeze %dma_start3A_685 : memref<1x128xi32, #tpu.memory_space<vmem>> -> memref<128xi32, #tpu.memory_space<vmem>>
        %dma_start3A_687 = arith.constant 0 : i32
        %dma_start3A_688 = arith.constant 0 : i32
        %dma_start3A_689 = tpu.memref_slice %arg8[%dma_start3A_687, %dma_start3A_688] : memref<1024x128xf32, #tpu.memory_space<vmem_shared>> -> memref<1024x128xf32, #tpu.memory_space<vmem_shared>>
        tpu.enqueue_indirect_dma source(%dma_start3A_683 : memref<128x128xf32, #tpu.memory_space<vmem>>) target(%dma_start3A_689 : memref<1024x128xf32, #tpu.memory_space<vmem_shared>>) offsets(%dma_start3A_686 : memref<128xi32, #tpu.memory_space<vmem>>) semaphore(%arg11 : memref<!tpu.dma_semaphore, #tpu.memory_space<semaphore_mem>>) {add = true}
        %mul3A_690 = arith.constant 2 : i32
        %mul3A_691 = arith.muli %mul3A_690, %rem3A_626 : i32
        %add3A_692 = arith.constant 1 : i32
        %add3A_693 = arith.addi %mul3A_691, %add3A_692 : i32
        %dma_start3A_694 = arith.constant 128 : i32
        %dma_start3A_695 = arith.constant 0 : i32
        %dma_start3A_696 = tpu.memref_slice %arg6[%rem3A_626, %dma_start3A_694, %dma_start3A_695] : memref<3x256x128xf32, #tpu.memory_space<vmem>> -> memref<1x128x128xf32, #tpu.memory_space<vmem>>
        %dma_start3A_697 = tpu.memref_squeeze %dma_start3A_696 : memref<1x128x128xf32, #tpu.memory_space<vmem>> -> memref<128x128xf32, #tpu.memory_space<vmem>>
        %dma_start3A_698 = arith.constant 0 : i32
        %dma_start3A_699 = tpu.memref_slice %arg5[%add3A_693, %dma_start3A_698] : memref<6x128xi32, #tpu.memory_space<vmem>> -> memref<1x128xi32, #tpu.memory_space<vmem>>
        %dma_start3A_700 = tpu.memref_squeeze %dma_start3A_699 : memref<1x128xi32, #tpu.memory_space<vmem>> -> memref<128xi32, #tpu.memory_space<vmem>>
        %dma_start3A_701 = arith.constant 0 : i32
        %dma_start3A_702 = arith.constant 0 : i32
        %dma_start3A_703 = tpu.memref_slice %arg8[%dma_start3A_701, %dma_start3A_702] : memref<1024x128xf32, #tpu.memory_space<vmem_shared>> -> memref<1024x128xf32, #tpu.memory_space<vmem_shared>>
        tpu.enqueue_indirect_dma source(%dma_start3A_697 : memref<128x128xf32, #tpu.memory_space<vmem>>) target(%dma_start3A_703 : memref<1024x128xf32, #tpu.memory_space<vmem_shared>>) offsets(%dma_start3A_700 : memref<128xi32, #tpu.memory_space<vmem>>) semaphore(%arg11 : memref<!tpu.dma_semaphore, #tpu.memory_space<semaphore_mem>>) {add = true}
        %add3A_704 = arith.constant 64 : i32
        %add3A_705 = arith.addi %add3A_625, %add3A_704 : i32
        %lt3A_706 = arith.constant 312 : i32
        %lt3A_707 = arith.cmpi slt, %add3A_705, %lt3A_706 : i32
        %convert_element_type3A_708 = arith.extui %lt3A_707 : i1 to i32
        %cond3A_709 = arith.constant 0 : i32
        %cond3A_710 = arith.cmpi ne, %convert_element_type3A_708, %cond3A_709 : i32
        scf.if %cond3A_710 {
          %add3A_711 = arith.constant 2 : i32
          %add3A_712 = arith.addi %scan3A_622, %add3A_711 : i32
          %rem3A_713 = arith.constant 3 : i32
          %rem3A_714 = arith.remsi %add3A_712, %rem3A_713 : i32
          %mul3A_715 = arith.constant 256 : i32
          %mul3A_716 = arith.muli %add3A_705, %mul3A_715 : i32
          %multiple_of3A_717 = tpu.assume_multiple %mul3A_716, 256 : i32
          %add3A_718 = arith.constant 0 : i32
          %add3A_719 = arith.addi %multiple_of3A_717, %add3A_718 : i32
          %mul3A_720 = arith.constant 2 : i32
          %mul3A_721 = arith.muli %mul3A_720, %rem3A_714 : i32
          %add3A_722 = arith.constant 0 : i32
          %add3A_723 = arith.addi %mul3A_721, %add3A_722 : i32
          %dma_start3A_724 = arith.constant 0 : i32
          %dma_start3A_725 = tpu.memref_slice %arg5[%add3A_723, %dma_start3A_724] : memref<6x128xi32, #tpu.memory_space<vmem>> -> memref<1x128xi32, #tpu.memory_space<vmem>>
          %dma_start3A_726 = tpu.memref_squeeze %dma_start3A_725 : memref<1x128xi32, #tpu.memory_space<vmem>> -> memref<128xi32, #tpu.memory_space<vmem>>
          %dma_start3A_727 = tpu.memref_slice %arg3[%add3A_719] : memref<100000xi32, #tpu.memory_space<hbm>> -> memref<128xi32, #tpu.memory_space<hbm>>
          %dma_start3A_728 = arith.constant 0 : i32
          %dma_start3A_729 = tpu.memref_slice %arg5[%add3A_723, %dma_start3A_728] : memref<6x128xi32, #tpu.memory_space<vmem>> -> memref<1x128xi32, #tpu.memory_space<vmem>>
          %dma_start3A_730 = tpu.memref_squeeze %dma_start3A_729 : memref<1x128xi32, #tpu.memory_space<vmem>> -> memref<128xi32, #tpu.memory_space<vmem>>
          %dma_start3A_731 = tpu.memref_slice %arg3[%add3A_719] : memref<100000xi32, #tpu.memory_space<hbm>> -> memref<128xi32, #tpu.memory_space<hbm>>
          tpu.enqueue_dma source(%dma_start3A_731 : memref<128xi32, #tpu.memory_space<hbm>>) target(%dma_start3A_730 : memref<128xi32, #tpu.memory_space<vmem>>) target_semaphore(%arg9 : memref<!tpu.dma_semaphore, #tpu.memory_space<semaphore_mem>>)
          %add3A_732 = arith.constant 128 : i32
          %add3A_733 = arith.addi %multiple_of3A_717, %add3A_732 : i32
          %mul3A_734 = arith.constant 2 : i32
          %mul3A_735 = arith.muli %mul3A_734, %rem3A_714 : i32
          %add3A_736 = arith.constant 1 : i32
          %add3A_737 = arith.addi %mul3A_735, %add3A_736 : i32
          %dma_start3A_738 = arith.constant 0 : i32
          %dma_start3A_739 = tpu.memref_slice %arg5[%add3A_737, %dma_start3A_738] : memref<6x128xi32, #tpu.memory_space<vmem>> -> memref<1x128xi32, #tpu.memory_space<vmem>>
          %dma_start3A_740 = tpu.memref_squeeze %dma_start3A_739 : memref<1x128xi32, #tpu.memory_space<vmem>> -> memref<128xi32, #tpu.memory_space<vmem>>
          %dma_start3A_741 = tpu.memref_slice %arg3[%add3A_733] : memref<100000xi32, #tpu.memory_space<hbm>> -> memref<128xi32, #tpu.memory_space<hbm>>
          %dma_start3A_742 = arith.constant 0 : i32
          %dma_start3A_743 = tpu.memref_slice %arg5[%add3A_737, %dma_start3A_742] : memref<6x128xi32, #tpu.memory_space<vmem>> -> memref<1x128xi32, #tpu.memory_space<vmem>>
          %dma_start3A_744 = tpu.memref_squeeze %dma_start3A_743 : memref<1x128xi32, #tpu.memory_space<vmem>> -> memref<128xi32, #tpu.memory_space<vmem>>
          %dma_start3A_745 = tpu.memref_slice %arg3[%add3A_733] : memref<100000xi32, #tpu.memory_space<hbm>> -> memref<128xi32, #tpu.memory_space<hbm>>
          tpu.enqueue_dma source(%dma_start3A_745 : memref<128xi32, #tpu.memory_space<hbm>>) target(%dma_start3A_744 : memref<128xi32, #tpu.memory_space<vmem>>) target_semaphore(%arg9 : memref<!tpu.dma_semaphore, #tpu.memory_space<semaphore_mem>>)
          %dma_start3A_746 = arith.constant 0 : i32
          %dma_start3A_747 = arith.constant 0 : i32
          %dma_start3A_748 = tpu.memref_slice %arg6[%rem3A_714, %dma_start3A_746, %dma_start3A_747] : memref<3x256x128xf32, #tpu.memory_space<vmem>> -> memref<1x256x128xf32, #tpu.memory_space<vmem>>
          %dma_start3A_749 = tpu.memref_squeeze %dma_start3A_748 : memref<1x256x128xf32, #tpu.memory_space<vmem>> -> memref<256x128xf32, #tpu.memory_space<vmem>>
          %dma_start3A_750 = arith.constant 0 : i32
          %dma_start3A_751 = tpu.memref_slice %arg2[%multiple_of3A_717, %dma_start3A_750] : memref<100000x128xf32, #tpu.memory_space<hbm>> -> memref<256x128xf32, #tpu.memory_space<hbm>>
          %dma_start3A_752 = arith.constant 0 : i32
          %dma_start3A_753 = arith.constant 0 : i32
          %dma_start3A_754 = tpu.memref_slice %arg6[%rem3A_714, %dma_start3A_752, %dma_start3A_753] : memref<3x256x128xf32, #tpu.memory_space<vmem>> -> memref<1x256x128xf32, #tpu.memory_space<vmem>>
          %dma_start3A_755 = tpu.memref_squeeze %dma_start3A_754 : memref<1x256x128xf32, #tpu.memory_space<vmem>> -> memref<256x128xf32, #tpu.memory_space<vmem>>
          %dma_start3A_756 = arith.constant 0 : i32
          %dma_start3A_757 = tpu.memref_slice %arg2[%multiple_of3A_717, %dma_start3A_756] : memref<100000x128xf32, #tpu.memory_space<hbm>> -> memref<256x128xf32, #tpu.memory_space<hbm>>
          tpu.enqueue_dma source(%dma_start3A_757 : memref<256x128xf32, #tpu.memory_space<hbm>>) target(%dma_start3A_755 : memref<256x128xf32, #tpu.memory_space<vmem>>) target_semaphore(%arg10 : memref<!tpu.dma_semaphore, #tpu.memory_space<semaphore_mem>>)
        } else {
        }
      } else {
      }
    }
    %scan3A_592 = arith.constant 10 : i32
    %dma_wait3A_593 = arith.constant 0 : i32
    %dma_wait3A_594 = arith.constant 0 : i32
    %dma_wait3A_595 = arith.constant 0 : i32
    %dma_wait3A_596 = arith.constant 0 : i32
    %dma_wait3A_597 = tpu.memref_slice %arg6[%dma_wait3A_593, %dma_wait3A_595, %dma_wait3A_596] : memref<3x256x128xf32, #tpu.memory_space<vmem>> -> memref<1x128x128xf32, #tpu.memory_space<vmem>>
    %dma_wait3A_598 = tpu.memref_squeeze %dma_wait3A_597 : memref<1x128x128xf32, #tpu.memory_space<vmem>> -> memref<128x128xf32, #tpu.memory_space<vmem>>
    %dma_wait3A_599 = arith.constant 0 : i32
    %dma_wait3A_600 = tpu.memref_slice %arg5[%dma_wait3A_594, %dma_wait3A_599] : memref<6x128xi32, #tpu.memory_space<vmem>> -> memref<1x128xi32, #tpu.memory_space<vmem>>
    %dma_wait3A_601 = tpu.memref_squeeze %dma_wait3A_600 : memref<1x128xi32, #tpu.memory_space<vmem>> -> memref<128xi32, #tpu.memory_space<vmem>>
    %dma_wait3A_602 = arith.constant 0 : i32
    %dma_wait3A_603 = arith.constant 0 : i32
    %dma_wait3A_604 = tpu.memref_slice %arg8[%dma_wait3A_602, %dma_wait3A_603] : memref<1024x128xf32, #tpu.memory_space<vmem_shared>> -> memref<1024x128xf32, #tpu.memory_space<vmem_shared>>
    tpu.wait_indirect_dma semaphore(%arg11 : memref<!tpu.dma_semaphore, #tpu.memory_space<semaphore_mem>>) src(%dma_wait3A_598 : memref<128x128xf32, #tpu.memory_space<vmem>>) dst(%dma_wait3A_604 : memref<1024x128xf32, #tpu.memory_space<vmem_shared>>)
    %dma_wait3A_605 = arith.constant 0 : i32
    %dma_wait3A_606 = arith.constant 0 : i32
    %dma_wait3A_607 = arith.constant 0 : i32
    %dma_wait3A_608 = arith.constant 0 : i32
    %dma_wait3A_609 = tpu.memref_slice %arg6[%dma_wait3A_605, %dma_wait3A_607, %dma_wait3A_608] : memref<3x256x128xf32, #tpu.memory_space<vmem>> -> memref<1x128x128xf32, #tpu.memory_space<vmem>>
    %dma_wait3A_610 = tpu.memref_squeeze %dma_wait3A_609 : memref<1x128x128xf32, #tpu.memory_space<vmem>> -> memref<128x128xf32, #tpu.memory_space<vmem>>
    %dma_wait3A_611 = arith.constant 0 : i32
    %dma_wait3A_612 = tpu.memref_slice %arg5[%dma_wait3A_606, %dma_wait3A_611] : memref<6x128xi32, #tpu.memory_space<vmem>> -> memref<1x128xi32, #tpu.memory_space<vmem>>
    %dma_wait3A_613 = tpu.memref_squeeze %dma_wait3A_612 : memref<1x128xi32, #tpu.memory_space<vmem>> -> memref<128xi32, #tpu.memory_space<vmem>>
    %dma_wait3A_614 = arith.constant 0 : i32
    %dma_wait3A_615 = arith.constant 0 : i32
    %dma_wait3A_616 = tpu.memref_slice %arg8[%dma_wait3A_614, %dma_wait3A_615] : memref<1024x128xf32, #tpu.memory_space<vmem_shared>> -> memref<1024x128xf32, #tpu.memory_space<vmem_shared>>
    tpu.wait_indirect_dma semaphore(%arg11 : memref<!tpu.dma_semaphore, #tpu.memory_space<semaphore_mem>>) src(%dma_wait3A_610 : memref<128x128xf32, #tpu.memory_space<vmem>>) dst(%dma_wait3A_616 : memref<1024x128xf32, #tpu.memory_space<vmem_shared>>)
    %barrier3A_617 = arith.constant 0 : index
    tpu.barrier barrier_id(%barrier3A_617)
    %mul3A_618 = arith.constant 64 : i32
    %mul3A_619 = arith.muli %arg1, %mul3A_618 : i32
    %mul3A_620 = arith.constant 64 : i32
    %mul3A_621 = arith.muli %arg1, %mul3A_620 : i32
    "tpu.region"() ({
      %run_scoped3A = tpu.sem_alloc : memref<!tpu.dma_semaphore, #tpu.memory_space<semaphore_mem>>
      %dma_start3A_622 = arith.constant 0 : i32
      %dma_start3A_623 = tpu.memref_slice %arg4[%arg0, %mul3A_621, %dma_start3A_622] : memref<2x1024x128xf32, #tpu.memory_space<hbm>> -> memref<1x64x128xf32, #tpu.memory_space<hbm>>
      %dma_start3A_624 = tpu.memref_squeeze %dma_start3A_623 : memref<1x64x128xf32, #tpu.memory_space<hbm>> -> memref<64x128xf32, #tpu.memory_space<hbm>>
      %dma_start3A_625 = arith.constant 0 : i32
      %dma_start3A_626 = tpu.memref_slice %arg8[%mul3A_619, %dma_start3A_625] : memref<1024x128xf32, #tpu.memory_space<vmem_shared>> -> memref<64x128xf32, #tpu.memory_space<vmem_shared>>
      tpu.enqueue_dma source(%dma_start3A_626 : memref<64x128xf32, #tpu.memory_space<vmem_shared>>) target(%dma_start3A_624 : memref<64x128xf32, #tpu.memory_space<hbm>>) target_semaphore(%run_scoped3A : memref<!tpu.dma_semaphore, #tpu.memory_space<semaphore_mem>>)
      %dma_wait3A_627 = arith.constant 0 : i32
      %dma_wait3A_628 = tpu.memref_slice %arg4[%arg0, %mul3A_621, %dma_wait3A_627] : memref<2x1024x128xf32, #tpu.memory_space<hbm>> -> memref<1x64x128xf32, #tpu.memory_space<hbm>>
      %dma_wait3A_629 = tpu.memref_squeeze %dma_wait3A_628 : memref<1x64x128xf32, #tpu.memory_space<hbm>> -> memref<64x128xf32, #tpu.memory_space<hbm>>
      %dma_wait3A_630 = arith.constant 0 : i32
      %dma_wait3A_631 = tpu.memref_slice %arg8[%mul3A_619, %dma_wait3A_630] : memref<1024x128xf32, #tpu.memory_space<vmem_shared>> -> memref<64x128xf32, #tpu.memory_space<vmem_shared>>
      tpu.wait_dma2 semaphore(%run_scoped3A : memref<!tpu.dma_semaphore, #tpu.memory_space<semaphore_mem>>) src(%dma_wait3A_631 : memref<64x128xf32, #tpu.memory_space<vmem_shared>>) dst(%dma_wait3A_629 : memref<64x128xf32, #tpu.memory_space<hbm>>)
      tpu.yield
    }) : () -> ()
    return
  }
}

#map = affine_map<(d0, d1) -> (0, 0)>
#map1 = affine_map<(d0, d1) -> (0)>
module attributes {stable_mosaic.version = 14 : i64} {
  func.func @k(%arg0: i32, %arg1: i32, %arg2: memref<1024x128xf32, #tpu.memory_space<hbm>>, %arg3: memref<100000xi32, #tpu.memory_space<hbm>>, %arg4: memref<100000x128xf32, #tpu.memory_space<hbm>>, %arg5: memref<2x128xi32, #tpu.memory_space<vmem>>, %arg6: memref<2x128x128xf32, #tpu.memory_space<vmem>>, %arg7: memref<32xi32, #tpu.memory_space<vmem>>, %arg8: memref<32x128xf32, #tpu.memory_space<vmem>>, %arg9: memref<1024x128xf32, #tpu.memory_space<vmem_shared>>, %arg10: memref<!tpu.dma_semaphore, #tpu.memory_space<semaphore_mem>>, %arg11: memref<!tpu.dma_semaphore, #tpu.memory_space<semaphore_mem>>, %arg12: memref<!tpu.dma_semaphore, #tpu.memory_space<semaphore_mem>>) attributes {dimension_semantics = [#tpu.dimension_semantics<core_parallel>, #tpu.dimension_semantics<subcore_parallel>], iteration_bounds = array<i64: 2, 16>, scalar_prefetch = 0 : i64, scratch_operands = 8 : i64, tpu.core_type = #tpu.core_type<sc_vector_subcore>, window_params = [{transform_indices = #map}, {transform_indices = #map1}, {transform_indices = #map}]} {
    %mul3A = arith.constant 2 : i32
    %mul3A_0 = arith.muli %arg1, %mul3A : i32
    %add3A = arith.addi %mul3A_0, %arg0 : i32
    %mul3A_1 = arith.constant 128 : i32
    %mul3A_2 = arith.muli %add3A, %mul3A_1 : i32
    %multiple_of3A = tpu.assume_multiple %mul3A_2, 128 : i32
    %dma_start3A = arith.constant 0 : i32
    %dma_start3A_3 = arith.constant 0 : i32
    %dma_start3A_4 = tpu.memref_slice %arg5[%dma_start3A, %dma_start3A_3] : memref<2x128xi32, #tpu.memory_space<vmem>> -> memref<1x128xi32, #tpu.memory_space<vmem>>
    %dma_start3A_5 = tpu.memref_squeeze %dma_start3A_4 : memref<1x128xi32, #tpu.memory_space<vmem>> -> memref<128xi32, #tpu.memory_space<vmem>>
    %dma_start3A_6 = tpu.memref_slice %arg3[%multiple_of3A] : memref<100000xi32, #tpu.memory_space<hbm>> -> memref<128xi32, #tpu.memory_space<hbm>>
    %dma_start3A_7 = arith.constant 0 : i32
    %dma_start3A_8 = tpu.memref_slice %arg5[%dma_start3A, %dma_start3A_7] : memref<2x128xi32, #tpu.memory_space<vmem>> -> memref<1x128xi32, #tpu.memory_space<vmem>>
    %dma_start3A_9 = tpu.memref_squeeze %dma_start3A_8 : memref<1x128xi32, #tpu.memory_space<vmem>> -> memref<128xi32, #tpu.memory_space<vmem>>
    %dma_start3A_10 = tpu.memref_slice %arg3[%multiple_of3A] : memref<100000xi32, #tpu.memory_space<hbm>> -> memref<128xi32, #tpu.memory_space<hbm>>
    tpu.enqueue_dma source(%dma_start3A_10 : memref<128xi32, #tpu.memory_space<hbm>>) target(%dma_start3A_9 : memref<128xi32, #tpu.memory_space<vmem>>) target_semaphore(%arg10 : memref<!tpu.dma_semaphore, #tpu.memory_space<semaphore_mem>>)
    %mul3A_11 = arith.constant 64 : i32
    %mul3A_12 = arith.muli %arg1, %mul3A_11 : i32
    %mul3A_13 = arith.constant 64 : i32
    %mul3A_14 = arith.muli %arg1, %mul3A_13 : i32
    "tpu.region"() ({
      %run_scoped3A = tpu.sem_alloc : memref<!tpu.dma_semaphore, #tpu.memory_space<semaphore_mem>>
      %dma_start3A_51 = arith.constant 0 : i32
      %dma_start3A_52 = tpu.memref_slice %arg9[%mul3A_14, %dma_start3A_51] : memref<1024x128xf32, #tpu.memory_space<vmem_shared>> -> memref<64x128xf32, #tpu.memory_space<vmem_shared>>
      %dma_start3A_53 = arith.constant 0 : i32
      %dma_start3A_54 = tpu.memref_slice %arg2[%mul3A_12, %dma_start3A_53] : memref<1024x128xf32, #tpu.memory_space<hbm>> -> memref<64x128xf32, #tpu.memory_space<hbm>>
      tpu.enqueue_dma source(%dma_start3A_54 : memref<64x128xf32, #tpu.memory_space<hbm>>) target(%dma_start3A_52 : memref<64x128xf32, #tpu.memory_space<vmem_shared>>) target_semaphore(%run_scoped3A : memref<!tpu.dma_semaphore, #tpu.memory_space<semaphore_mem>>)
      %dma_wait3A_55 = arith.constant 0 : i32
      %dma_wait3A_56 = tpu.memref_slice %arg9[%mul3A_14, %dma_wait3A_55] : memref<1024x128xf32, #tpu.memory_space<vmem_shared>> -> memref<64x128xf32, #tpu.memory_space<vmem_shared>>
      %dma_wait3A_57 = arith.constant 0 : i32
      %dma_wait3A_58 = tpu.memref_slice %arg2[%mul3A_12, %dma_wait3A_57] : memref<1024x128xf32, #tpu.memory_space<hbm>> -> memref<64x128xf32, #tpu.memory_space<hbm>>
      tpu.wait_dma2 semaphore(%run_scoped3A : memref<!tpu.dma_semaphore, #tpu.memory_space<semaphore_mem>>) src(%dma_wait3A_58 : memref<64x128xf32, #tpu.memory_space<hbm>>) dst(%dma_wait3A_56 : memref<64x128xf32, #tpu.memory_space<vmem_shared>>)
      tpu.yield
    }) : () -> ()
    %barrier3A = arith.constant 0 : index
    tpu.barrier barrier_id(%barrier3A)
    %scan3A = arith.constant 0 : i32
    %scan3A_15 = arith.constant 0 : i32
    %scan3A_16 = arith.constant 25 : i32
    %scan3A_17 = arith.addi %scan3A_15, %scan3A_16 : i32
    %scan3A_18 = arith.constant 1 : i32
    scf.for %scan3A_51 = %scan3A_15 to %scan3A_17 step %scan3A_18  : i32 {
      %mul3A_52 = arith.constant 32 : i32
      %mul3A_53 = arith.muli %scan3A_51, %mul3A_52 : i32
      %add3A_54 = arith.addi %add3A, %mul3A_53 : i32
      %add3A_55 = arith.constant 32 : i32
      %add3A_56 = arith.addi %add3A_54, %add3A_55 : i32
      %rem3A = arith.constant 2 : i32
      %rem3A_57 = arith.remsi %scan3A_51, %rem3A : i32
      %add3A_58 = arith.constant 1 : i32
      %add3A_59 = arith.addi %scan3A_51, %add3A_58 : i32
      %rem3A_60 = arith.constant 2 : i32
      %rem3A_61 = arith.remsi %add3A_59, %rem3A_60 : i32
      %lt3A = arith.constant 781 : i32
      %lt3A_62 = arith.cmpi slt, %add3A_56, %lt3A : i32
      %convert_element_type3A_63 = arith.extui %lt3A_62 : i1 to i32
      %cond3A_64 = arith.constant 0 : i32
      %cond3A_65 = arith.cmpi ne, %convert_element_type3A_63, %cond3A_64 : i32
      scf.if %cond3A_65 {
        %mul3A_71 = arith.constant 128 : i32
        %mul3A_72 = arith.muli %add3A_56, %mul3A_71 : i32
        %multiple_of3A_73 = tpu.assume_multiple %mul3A_72, 128 : i32
        %dma_start3A_74 = arith.constant 0 : i32
        %dma_start3A_75 = tpu.memref_slice %arg5[%rem3A_61, %dma_start3A_74] : memref<2x128xi32, #tpu.memory_space<vmem>> -> memref<1x128xi32, #tpu.memory_space<vmem>>
        %dma_start3A_76 = tpu.memref_squeeze %dma_start3A_75 : memref<1x128xi32, #tpu.memory_space<vmem>> -> memref<128xi32, #tpu.memory_space<vmem>>
        %dma_start3A_77 = tpu.memref_slice %arg3[%multiple_of3A_73] : memref<100000xi32, #tpu.memory_space<hbm>> -> memref<128xi32, #tpu.memory_space<hbm>>
        %dma_start3A_78 = arith.constant 0 : i32
        %dma_start3A_79 = tpu.memref_slice %arg5[%rem3A_61, %dma_start3A_78] : memref<2x128xi32, #tpu.memory_space<vmem>> -> memref<1x128xi32, #tpu.memory_space<vmem>>
        %dma_start3A_80 = tpu.memref_squeeze %dma_start3A_79 : memref<1x128xi32, #tpu.memory_space<vmem>> -> memref<128xi32, #tpu.memory_space<vmem>>
        %dma_start3A_81 = tpu.memref_slice %arg3[%multiple_of3A_73] : memref<100000xi32, #tpu.memory_space<hbm>> -> memref<128xi32, #tpu.memory_space<hbm>>
        tpu.enqueue_dma source(%dma_start3A_81 : memref<128xi32, #tpu.memory_space<hbm>>) target(%dma_start3A_80 : memref<128xi32, #tpu.memory_space<vmem>>) target_semaphore(%arg10 : memref<!tpu.dma_semaphore, #tpu.memory_space<semaphore_mem>>)
      } else {
      }
      %lt3A_66 = arith.constant 781 : i32
      %lt3A_67 = arith.cmpi slt, %add3A_54, %lt3A_66 : i32
      %convert_element_type3A_68 = arith.extui %lt3A_67 : i1 to i32
      %cond3A_69 = arith.constant 0 : i32
      %cond3A_70 = arith.cmpi ne, %convert_element_type3A_68, %cond3A_69 : i32
      scf.if %cond3A_70 {
        %mul3A_71 = arith.constant 128 : i32
        %mul3A_72 = arith.muli %add3A_54, %mul3A_71 : i32
        %multiple_of3A_73 = tpu.assume_multiple %mul3A_72, 128 : i32
        %ge3A = arith.constant 2 : i32
        %ge3A_74 = arith.cmpi sge, %scan3A_51, %ge3A : i32
        %convert_element_type3A_75 = arith.extui %ge3A_74 : i1 to i32
        %cond3A_76 = arith.constant 0 : i32
        %cond3A_77 = arith.cmpi ne, %convert_element_type3A_75, %cond3A_76 : i32
        scf.if %cond3A_77 {
          %dma_wait3A_118 = arith.constant 0 : i32
          %dma_wait3A_119 = arith.constant 0 : i32
          %dma_wait3A_120 = tpu.memref_slice %arg6[%rem3A_57, %dma_wait3A_118, %dma_wait3A_119] : memref<2x128x128xf32, #tpu.memory_space<vmem>> -> memref<1x128x128xf32, #tpu.memory_space<vmem>>
          %dma_wait3A_121 = tpu.memref_squeeze %dma_wait3A_120 : memref<1x128x128xf32, #tpu.memory_space<vmem>> -> memref<128x128xf32, #tpu.memory_space<vmem>>
          %dma_wait3A_122 = arith.constant 0 : i32
          %dma_wait3A_123 = tpu.memref_slice %arg4[%multiple_of3A_73, %dma_wait3A_122] : memref<100000x128xf32, #tpu.memory_space<hbm>> -> memref<128x128xf32, #tpu.memory_space<hbm>>
          %dma_wait3A_124 = arith.constant 0 : i32
          %dma_wait3A_125 = tpu.memref_slice %arg4[%multiple_of3A_73, %dma_wait3A_124] : memref<100000x128xf32, #tpu.memory_space<hbm>> -> memref<128x128xf32, #tpu.memory_space<hbm>>
          %dma_wait3A_126 = arith.constant 0 : i32
          %dma_wait3A_127 = arith.constant 0 : i32
          %dma_wait3A_128 = tpu.memref_slice %arg6[%rem3A_57, %dma_wait3A_126, %dma_wait3A_127] : memref<2x128x128xf32, #tpu.memory_space<vmem>> -> memref<1x128x128xf32, #tpu.memory_space<vmem>>
          %dma_wait3A_129 = tpu.memref_squeeze %dma_wait3A_128 : memref<1x128x128xf32, #tpu.memory_space<vmem>> -> memref<128x128xf32, #tpu.memory_space<vmem>>
          tpu.wait_dma2 semaphore(%arg12 : memref<!tpu.dma_semaphore, #tpu.memory_space<semaphore_mem>>) src(%dma_wait3A_129 : memref<128x128xf32, #tpu.memory_space<vmem>>) dst(%dma_wait3A_125 : memref<128x128xf32, #tpu.memory_space<hbm>>)
        } else {
        }
        %dma_wait3A_78 = arith.constant 0 : i32
        %dma_wait3A_79 = tpu.memref_slice %arg5[%rem3A_57, %dma_wait3A_78] : memref<2x128xi32, #tpu.memory_space<vmem>> -> memref<1x128xi32, #tpu.memory_space<vmem>>
        %dma_wait3A_80 = tpu.memref_squeeze %dma_wait3A_79 : memref<1x128xi32, #tpu.memory_space<vmem>> -> memref<128xi32, #tpu.memory_space<vmem>>
        %dma_wait3A_81 = tpu.memref_slice %arg3[%multiple_of3A_73] : memref<100000xi32, #tpu.memory_space<hbm>> -> memref<128xi32, #tpu.memory_space<hbm>>
        %dma_wait3A_82 = arith.constant 0 : i32
        %dma_wait3A_83 = tpu.memref_slice %arg5[%rem3A_57, %dma_wait3A_82] : memref<2x128xi32, #tpu.memory_space<vmem>> -> memref<1x128xi32, #tpu.memory_space<vmem>>
        %dma_wait3A_84 = tpu.memref_squeeze %dma_wait3A_83 : memref<1x128xi32, #tpu.memory_space<vmem>> -> memref<128xi32, #tpu.memory_space<vmem>>
        %dma_wait3A_85 = tpu.memref_slice %arg3[%multiple_of3A_73] : memref<100000xi32, #tpu.memory_space<hbm>> -> memref<128xi32, #tpu.memory_space<hbm>>
        tpu.wait_dma2 semaphore(%arg10 : memref<!tpu.dma_semaphore, #tpu.memory_space<semaphore_mem>>) src(%dma_wait3A_85 : memref<128xi32, #tpu.memory_space<hbm>>) dst(%dma_wait3A_84 : memref<128xi32, #tpu.memory_space<vmem>>)
        %dma_start3A_86 = arith.constant 0 : i32
        %dma_start3A_87 = arith.constant 0 : i32
        %dma_start3A_88 = tpu.memref_slice %arg6[%rem3A_57, %dma_start3A_86, %dma_start3A_87] : memref<2x128x128xf32, #tpu.memory_space<vmem>> -> memref<1x128x128xf32, #tpu.memory_space<vmem>>
        %dma_start3A_89 = tpu.memref_squeeze %dma_start3A_88 : memref<1x128x128xf32, #tpu.memory_space<vmem>> -> memref<128x128xf32, #tpu.memory_space<vmem>>
        %dma_start3A_90 = arith.constant 0 : i32
        %dma_start3A_91 = tpu.memref_slice %arg5[%rem3A_57, %dma_start3A_90] : memref<2x128xi32, #tpu.memory_space<vmem>> -> memref<1x128xi32, #tpu.memory_space<vmem>>
        %dma_start3A_92 = tpu.memref_squeeze %dma_start3A_91 : memref<1x128xi32, #tpu.memory_space<vmem>> -> memref<128xi32, #tpu.memory_space<vmem>>
        %dma_start3A_93 = arith.constant 0 : i32
        %dma_start3A_94 = arith.constant 0 : i32
        %dma_start3A_95 = tpu.memref_slice %arg9[%dma_start3A_93, %dma_start3A_94] : memref<1024x128xf32, #tpu.memory_space<vmem_shared>> -> memref<1024x128xf32, #tpu.memory_space<vmem_shared>>
        tpu.enqueue_indirect_dma source(%dma_start3A_95 : memref<1024x128xf32, #tpu.memory_space<vmem_shared>>) target(%dma_start3A_89 : memref<128x128xf32, #tpu.memory_space<vmem>>) offsets(%dma_start3A_92 : memref<128xi32, #tpu.memory_space<vmem>>) semaphore(%arg11 : memref<!tpu.dma_semaphore, #tpu.memory_space<semaphore_mem>>)
        %dma_wait3A_96 = arith.constant 0 : i32
        %dma_wait3A_97 = arith.constant 0 : i32
        %dma_wait3A_98 = tpu.memref_slice %arg6[%rem3A_57, %dma_wait3A_96, %dma_wait3A_97] : memref<2x128x128xf32, #tpu.memory_space<vmem>> -> memref<1x128x128xf32, #tpu.memory_space<vmem>>
        %dma_wait3A_99 = tpu.memref_squeeze %dma_wait3A_98 : memref<1x128x128xf32, #tpu.memory_space<vmem>> -> memref<128x128xf32, #tpu.memory_space<vmem>>
        %dma_wait3A_100 = arith.constant 0 : i32
        %dma_wait3A_101 = tpu.memref_slice %arg5[%rem3A_57, %dma_wait3A_100] : memref<2x128xi32, #tpu.memory_space<vmem>> -> memref<1x128xi32, #tpu.memory_space<vmem>>
        %dma_wait3A_102 = tpu.memref_squeeze %dma_wait3A_101 : memref<1x128xi32, #tpu.memory_space<vmem>> -> memref<128xi32, #tpu.memory_space<vmem>>
        %dma_wait3A_103 = arith.constant 0 : i32
        %dma_wait3A_104 = arith.constant 0 : i32
        %dma_wait3A_105 = tpu.memref_slice %arg9[%dma_wait3A_103, %dma_wait3A_104] : memref<1024x128xf32, #tpu.memory_space<vmem_shared>> -> memref<1024x128xf32, #tpu.memory_space<vmem_shared>>
        tpu.wait_indirect_dma semaphore(%arg11 : memref<!tpu.dma_semaphore, #tpu.memory_space<semaphore_mem>>) src(%dma_wait3A_105 : memref<1024x128xf32, #tpu.memory_space<vmem_shared>>) dst(%dma_wait3A_99 : memref<128x128xf32, #tpu.memory_space<vmem>>)
        %dma_start3A_106 = arith.constant 0 : i32
        %dma_start3A_107 = arith.constant 0 : i32
        %dma_start3A_108 = tpu.memref_slice %arg6[%rem3A_57, %dma_start3A_106, %dma_start3A_107] : memref<2x128x128xf32, #tpu.memory_space<vmem>> -> memref<1x128x128xf32, #tpu.memory_space<vmem>>
        %dma_start3A_109 = tpu.memref_squeeze %dma_start3A_108 : memref<1x128x128xf32, #tpu.memory_space<vmem>> -> memref<128x128xf32, #tpu.memory_space<vmem>>
        %dma_start3A_110 = arith.constant 0 : i32
        %dma_start3A_111 = tpu.memref_slice %arg4[%multiple_of3A_73, %dma_start3A_110] : memref<100000x128xf32, #tpu.memory_space<hbm>> -> memref<128x128xf32, #tpu.memory_space<hbm>>
        %dma_start3A_112 = arith.constant 0 : i32
        %dma_start3A_113 = tpu.memref_slice %arg4[%multiple_of3A_73, %dma_start3A_112] : memref<100000x128xf32, #tpu.memory_space<hbm>> -> memref<128x128xf32, #tpu.memory_space<hbm>>
        %dma_start3A_114 = arith.constant 0 : i32
        %dma_start3A_115 = arith.constant 0 : i32
        %dma_start3A_116 = tpu.memref_slice %arg6[%rem3A_57, %dma_start3A_114, %dma_start3A_115] : memref<2x128x128xf32, #tpu.memory_space<vmem>> -> memref<1x128x128xf32, #tpu.memory_space<vmem>>
        %dma_start3A_117 = tpu.memref_squeeze %dma_start3A_116 : memref<1x128x128xf32, #tpu.memory_space<vmem>> -> memref<128x128xf32, #tpu.memory_space<vmem>>
        tpu.enqueue_dma source(%dma_start3A_117 : memref<128x128xf32, #tpu.memory_space<vmem>>) target(%dma_start3A_113 : memref<128x128xf32, #tpu.memory_space<hbm>>) target_semaphore(%arg12 : memref<!tpu.dma_semaphore, #tpu.memory_space<semaphore_mem>>)
      } else {
      }
    }
    %scan3A_19 = arith.constant 25 : i32
    %dma_wait3A = arith.constant 0 : i32
    %dma_wait3A_20 = arith.constant 0 : i32
    %dma_wait3A_21 = arith.constant 0 : i32
    %dma_wait3A_22 = tpu.memref_slice %arg6[%dma_wait3A, %dma_wait3A_20, %dma_wait3A_21] : memref<2x128x128xf32, #tpu.memory_space<vmem>> -> memref<1x128x128xf32, #tpu.memory_space<vmem>>
    %dma_wait3A_23 = tpu.memref_squeeze %dma_wait3A_22 : memref<1x128x128xf32, #tpu.memory_space<vmem>> -> memref<128x128xf32, #tpu.memory_space<vmem>>
    %dma_wait3A_24 = arith.constant 0 : i32
    %dma_wait3A_25 = arith.constant 0 : i32
    %dma_wait3A_26 = tpu.memref_slice %arg4[%dma_wait3A_24, %dma_wait3A_25] : memref<100000x128xf32, #tpu.memory_space<hbm>> -> memref<128x128xf32, #tpu.memory_space<hbm>>
    %dma_wait3A_27 = arith.constant 0 : i32
    %dma_wait3A_28 = arith.constant 0 : i32
    %dma_wait3A_29 = tpu.memref_slice %arg4[%dma_wait3A_27, %dma_wait3A_28] : memref<100000x128xf32, #tpu.memory_space<hbm>> -> memref<128x128xf32, #tpu.memory_space<hbm>>
    %dma_wait3A_30 = arith.constant 0 : i32
    %dma_wait3A_31 = arith.constant 0 : i32
    %dma_wait3A_32 = tpu.memref_slice %arg6[%dma_wait3A, %dma_wait3A_30, %dma_wait3A_31] : memref<2x128x128xf32, #tpu.memory_space<vmem>> -> memref<1x128x128xf32, #tpu.memory_space<vmem>>
    %dma_wait3A_33 = tpu.memref_squeeze %dma_wait3A_32 : memref<1x128x128xf32, #tpu.memory_space<vmem>> -> memref<128x128xf32, #tpu.memory_space<vmem>>
    tpu.wait_dma2 semaphore(%arg12 : memref<!tpu.dma_semaphore, #tpu.memory_space<semaphore_mem>>) src(%dma_wait3A_33 : memref<128x128xf32, #tpu.memory_space<vmem>>) dst(%dma_wait3A_29 : memref<128x128xf32, #tpu.memory_space<hbm>>)
    %dma_wait3A_34 = arith.constant 0 : i32
    %dma_wait3A_35 = arith.constant 0 : i32
    %dma_wait3A_36 = arith.constant 0 : i32
    %dma_wait3A_37 = tpu.memref_slice %arg6[%dma_wait3A_34, %dma_wait3A_35, %dma_wait3A_36] : memref<2x128x128xf32, #tpu.memory_space<vmem>> -> memref<1x128x128xf32, #tpu.memory_space<vmem>>
    %dma_wait3A_38 = tpu.memref_squeeze %dma_wait3A_37 : memref<1x128x128xf32, #tpu.memory_space<vmem>> -> memref<128x128xf32, #tpu.memory_space<vmem>>
    %dma_wait3A_39 = arith.constant 0 : i32
    %dma_wait3A_40 = arith.constant 0 : i32
    %dma_wait3A_41 = tpu.memref_slice %arg4[%dma_wait3A_39, %dma_wait3A_40] : memref<100000x128xf32, #tpu.memory_space<hbm>> -> memref<128x128xf32, #tpu.memory_space<hbm>>
    %dma_wait3A_42 = arith.constant 0 : i32
    %dma_wait3A_43 = arith.constant 0 : i32
    %dma_wait3A_44 = tpu.memref_slice %arg4[%dma_wait3A_42, %dma_wait3A_43] : memref<100000x128xf32, #tpu.memory_space<hbm>> -> memref<128x128xf32, #tpu.memory_space<hbm>>
    %dma_wait3A_45 = arith.constant 0 : i32
    %dma_wait3A_46 = arith.constant 0 : i32
    %dma_wait3A_47 = tpu.memref_slice %arg6[%dma_wait3A_34, %dma_wait3A_45, %dma_wait3A_46] : memref<2x128x128xf32, #tpu.memory_space<vmem>> -> memref<1x128x128xf32, #tpu.memory_space<vmem>>
    %dma_wait3A_48 = tpu.memref_squeeze %dma_wait3A_47 : memref<1x128x128xf32, #tpu.memory_space<vmem>> -> memref<128x128xf32, #tpu.memory_space<vmem>>
    tpu.wait_dma2 semaphore(%arg12 : memref<!tpu.dma_semaphore, #tpu.memory_space<semaphore_mem>>) src(%dma_wait3A_48 : memref<128x128xf32, #tpu.memory_space<vmem>>) dst(%dma_wait3A_44 : memref<128x128xf32, #tpu.memory_space<hbm>>)
    %eq3A = arith.constant 31 : i32
    %eq3A_49 = arith.cmpi eq, %add3A, %eq3A : i32
    %convert_element_type3A = arith.extui %eq3A_49 : i1 to i32
    %cond3A = arith.constant 0 : i32
    %cond3A_50 = arith.cmpi ne, %convert_element_type3A, %cond3A : i32
    scf.if %cond3A_50 {
      "tpu.region"() ({
        %run_scoped3A = tpu.sem_alloc : memref<!tpu.dma_semaphore, #tpu.memory_space<semaphore_mem>>
        %dma_start3A_57 = arith.constant 99968 : i32
        %dma_start3A_58 = tpu.memref_slice %arg3[%dma_start3A_57] : memref<100000xi32, #tpu.memory_space<hbm>> -> memref<32xi32, #tpu.memory_space<hbm>>
        %dma_start3A_59 = arith.constant 99968 : i32
        %dma_start3A_60 = tpu.memref_slice %arg3[%dma_start3A_59] : memref<100000xi32, #tpu.memory_space<hbm>> -> memref<32xi32, #tpu.memory_space<hbm>>
        tpu.enqueue_dma source(%dma_start3A_60 : memref<32xi32, #tpu.memory_space<hbm>>) target(%arg7 : memref<32xi32, #tpu.memory_space<vmem>>) target_semaphore(%run_scoped3A : memref<!tpu.dma_semaphore, #tpu.memory_space<semaphore_mem>>)
        %dma_wait3A_61 = arith.constant 99968 : i32
        %dma_wait3A_62 = tpu.memref_slice %arg3[%dma_wait3A_61] : memref<100000xi32, #tpu.memory_space<hbm>> -> memref<32xi32, #tpu.memory_space<hbm>>
        %dma_wait3A_63 = arith.constant 99968 : i32
        %dma_wait3A_64 = tpu.memref_slice %arg3[%dma_wait3A_63] : memref<100000xi32, #tpu.memory_space<hbm>> -> memref<32xi32, #tpu.memory_space<hbm>>
        tpu.wait_dma2 semaphore(%run_scoped3A : memref<!tpu.dma_semaphore, #tpu.memory_space<semaphore_mem>>) src(%dma_wait3A_64 : memref<32xi32, #tpu.memory_space<hbm>>) dst(%arg7 : memref<32xi32, #tpu.memory_space<vmem>>)
        tpu.yield
      }) : () -> ()
      %dma_start3A_51 = arith.constant 0 : i32
      %dma_start3A_52 = arith.constant 0 : i32
      %dma_start3A_53 = tpu.memref_slice %arg9[%dma_start3A_51, %dma_start3A_52] : memref<1024x128xf32, #tpu.memory_space<vmem_shared>> -> memref<1024x128xf32, #tpu.memory_space<vmem_shared>>
      tpu.enqueue_indirect_dma source(%dma_start3A_53 : memref<1024x128xf32, #tpu.memory_space<vmem_shared>>) target(%arg8 : memref<32x128xf32, #tpu.memory_space<vmem>>) offsets(%arg7 : memref<32xi32, #tpu.memory_space<vmem>>) semaphore(%arg11 : memref<!tpu.dma_semaphore, #tpu.memory_space<semaphore_mem>>)
      %dma_wait3A_54 = arith.constant 0 : i32
      %dma_wait3A_55 = arith.constant 0 : i32
      %dma_wait3A_56 = tpu.memref_slice %arg9[%dma_wait3A_54, %dma_wait3A_55] : memref<1024x128xf32, #tpu.memory_space<vmem_shared>> -> memref<1024x128xf32, #tpu.memory_space<vmem_shared>>
      tpu.wait_indirect_dma semaphore(%arg11 : memref<!tpu.dma_semaphore, #tpu.memory_space<semaphore_mem>>) src(%dma_wait3A_56 : memref<1024x128xf32, #tpu.memory_space<vmem_shared>>) dst(%arg8 : memref<32x128xf32, #tpu.memory_space<vmem>>)
      "tpu.region"() ({
        %run_scoped3A = tpu.sem_alloc : memref<!tpu.dma_semaphore, #tpu.memory_space<semaphore_mem>>
        %dma_start3A_57 = arith.constant 99968 : i32
        %dma_start3A_58 = arith.constant 0 : i32
        %dma_start3A_59 = tpu.memref_slice %arg4[%dma_start3A_57, %dma_start3A_58] : memref<100000x128xf32, #tpu.memory_space<hbm>> -> memref<32x128xf32, #tpu.memory_space<hbm>>
        %dma_start3A_60 = arith.constant 99968 : i32
        %dma_start3A_61 = arith.constant 0 : i32
        %dma_start3A_62 = tpu.memref_slice %arg4[%dma_start3A_60, %dma_start3A_61] : memref<100000x128xf32, #tpu.memory_space<hbm>> -> memref<32x128xf32, #tpu.memory_space<hbm>>
        tpu.enqueue_dma source(%arg8 : memref<32x128xf32, #tpu.memory_space<vmem>>) target(%dma_start3A_62 : memref<32x128xf32, #tpu.memory_space<hbm>>) target_semaphore(%run_scoped3A : memref<!tpu.dma_semaphore, #tpu.memory_space<semaphore_mem>>)
        %dma_wait3A_63 = arith.constant 99968 : i32
        %dma_wait3A_64 = arith.constant 0 : i32
        %dma_wait3A_65 = tpu.memref_slice %arg4[%dma_wait3A_63, %dma_wait3A_64] : memref<100000x128xf32, #tpu.memory_space<hbm>> -> memref<32x128xf32, #tpu.memory_space<hbm>>
        %dma_wait3A_66 = arith.constant 99968 : i32
        %dma_wait3A_67 = arith.constant 0 : i32
        %dma_wait3A_68 = tpu.memref_slice %arg4[%dma_wait3A_66, %dma_wait3A_67] : memref<100000x128xf32, #tpu.memory_space<hbm>> -> memref<32x128xf32, #tpu.memory_space<hbm>>
        tpu.wait_dma2 semaphore(%run_scoped3A : memref<!tpu.dma_semaphore, #tpu.memory_space<semaphore_mem>>) src(%arg8 : memref<32x128xf32, #tpu.memory_space<vmem>>) dst(%dma_wait3A_68 : memref<32x128xf32, #tpu.memory_space<hbm>>)
        tpu.yield
      }) : () -> ()
    } else {
    }
    return
  }
}

module attributes {stable_mosaic.version = 14 : i64} {
  func.func @_tc_scatter_body(%arg0: i32, %arg1: memref<1x1x1024xi32, #tpu.memory_space<vmem>>, %arg2: memref<1024x128xf32, #tpu.memory_space<vmem>>, %arg3: memref<1024x128xf32, #tpu.memory_space<vmem>>) attributes {dimension_semantics = [#tpu.dimension_semantics<arbitrary>], iteration_bounds = array<i64: 20>, scalar_prefetch = 0 : i64, scratch_operands = 0 : i64, tpu.core_type = #tpu.core_type<tc>, window_params = [{transform_indices = @transform_0, window_bounds = array<i64: 1, 1, 1024>}, {transform_indices = @transform_1, window_bounds = array<i64: 1024, 128>}, {pipeline_mode = #tpu.pipeline_mode<synchronous>, transform_indices = @transform_2, window_bounds = array<i64: 1024, 128>}]} {
    %eq3A = arith.constant 0 : i32
    %eq3A_0 = arith.cmpi eq, %arg0, %eq3A : i32
    %convert_element_type3A = arith.extui %eq3A_0 : i1 to i32
    %cond3A = arith.constant 0 : i32
    %cond3A_1 = arith.cmpi ne, %convert_element_type3A, %cond3A : i32
    scf.if %cond3A_1 {
      %broadcast_in_dim3A_31 = arith.constant 0.000000e+00 : f32
      %broadcast_in_dim3A_32 = vector.broadcast %broadcast_in_dim3A_31 : f32 to vector<1024x128xf32>
      %swap3A_33 = arith.constant 0 : index
      %swap3A_34 = arith.constant 0 : index
      %swap3A_35 = vector.load %arg3[%swap3A_33, %swap3A_34] : memref<1024x128xf32, #tpu.memory_space<vmem>>, vector<1024x128xf32>
      tpu.vector_store %arg3[%swap3A_33, %swap3A_34], %broadcast_in_dim3A_32 {strides = array<i32>} : memref<1024x128xf32, #tpu.memory_space<vmem>>, vector<1024x128xf32>,
    } else {
    }
    %add3A = arith.constant 78 : i32
    %add3A_2 = arith.addi %add3A, %arg0 : i32
    %mul3A = arith.constant 1024 : i32
    %mul3A_3 = arith.muli %add3A_2, %mul3A : i32
    %get3A = arith.constant 0 : index
    %get3A_4 = arith.constant 0 : index
    %get3A_5 = arith.constant 0 : index
    %get3A_6 = vector.load %arg1[%get3A, %get3A_4, %get3A_5] : memref<1x1x1024xi32, #tpu.memory_space<vmem>>, vector<1x1x1024xi32>
    %get3A_7 = vector.shape_cast %get3A_6 : vector<1x1x1024xi32> to vector<1024xi32>
    %iota3A = tpu.iota {dimensions = array<i32: 0>} : vector<1024x128xi32>
    %add3A_8 = vector.broadcast %mul3A_3 : i32 to vector<1024x128xi32>
    %add3A_9 = arith.addi %iota3A, %add3A_8 : vector<1024x128xi32>
    %lt3A = arith.constant 100000 : i32
    %lt3A_10 = vector.broadcast %lt3A : i32 to vector<1024x128xi32>
    %lt3A_11 = arith.cmpi slt, %add3A_9, %lt3A_10 : vector<1024x128xi32>
    %get3A_12 = arith.constant 0 : index
    %get3A_13 = arith.constant 0 : index
    %get3A_14 = vector.load %arg2[%get3A_12, %get3A_13] : memref<1024x128xf32, #tpu.memory_space<vmem>>, vector<1024x128xf32>
    %jit3A = arith.constant 0.000000e+00 : f32
    %broadcast_in_dim3A = vector.broadcast %jit3A : f32 to vector<1024x128xf32>
    %select_n3A = arith.select %lt3A_11, %get3A_14, %broadcast_in_dim3A : vector<1024x128xi1>, vector<1024x128xf32>
    %iota3A_15 = tpu.iota {dimensions = array<i32: 0>} : vector<1024x1024xi32>
    %broadcast_in_dim3A_16 = vector.shape_cast %get3A_7 : vector<1024xi32> to vector<1x1024xi32>
    %eq3A_17 = vector.broadcast %broadcast_in_dim3A_16 : vector<1x1024xi32> to vector<1024x1024xi32>
    %eq3A_18 = arith.cmpi eq, %iota3A_15, %eq3A_17 : vector<1024x1024xi32>
    %jit3A_19 = arith.constant 1.000000e+00 : f32
    %jit3A_20 = arith.constant 0.000000e+00 : f32
    %broadcast_in_dim3A_21 = vector.broadcast %jit3A_19 : f32 to vector<1024x1024xf32>
    %broadcast_in_dim3A_22 = vector.broadcast %jit3A_20 : f32 to vector<1024x1024xf32>
    %select_n3A_23 = arith.select %eq3A_18, %broadcast_in_dim3A_21, %broadcast_in_dim3A_22 : vector<1024x1024xi1>, vector<1024x1024xf32>
    %get3A_24 = arith.constant 0 : index
    %get3A_25 = arith.constant 0 : index
    %get3A_26 = vector.load %arg3[%get3A_24, %get3A_25] : memref<1024x128xf32, #tpu.memory_space<vmem>>, vector<1024x128xf32>
    %dot_general3A = arith.constant dense<0.000000e+00> : vector<1024x128xf32>
    %dot_general3A_27 = tpu.matmul %select_n3A_23, %select_n3A, %dot_general3A {dimension_numbers = #tpu.dot_dimension_numbers<[1], [0], [0], [1], [0, 0, 1, 1], [], []>, transpose_lhs_hint = false} : vector<1024x1024xf32>, vector<1024x128xf32>, vector<1024x128xf32> -> vector<1024x128xf32>
    %add3A_28 = arith.addf %get3A_26, %dot_general3A_27 : vector<1024x128xf32>
    %swap3A = arith.constant 0 : index
    %swap3A_29 = arith.constant 0 : index
    %swap3A_30 = vector.load %arg3[%swap3A, %swap3A_29] : memref<1024x128xf32, #tpu.memory_space<vmem>>, vector<1024x128xf32>
    tpu.vector_store %arg3[%swap3A, %swap3A_29], %add3A_28 {strides = array<i32>} : memref<1024x128xf32, #tpu.memory_space<vmem>>, vector<1024x128xf32>,
    return
  }
  func.func @transform_0(%arg0: i32) -> (i32, i32, i32) {
    %add3A = arith.constant 78 : i32
    %add3A_0 = arith.addi %add3A, %arg0 : i32
    %c0_i32 = arith.constant 0 : i32
    %c0_i32_1 = arith.constant 0 : i32
    %c0_i32_2 = arith.constant 0 : i32
    return %add3A_0, %c0_i32, %c0_i32_1 : i32, i32, i32
  }
  func.func @transform_1(%arg0: i32) -> (i32, i32) {
    %add3A = arith.constant 78 : i32
    %add3A_0 = arith.addi %add3A, %arg0 : i32
    %c0_i32 = arith.constant 0 : i32
    %c0_i32_1 = arith.constant 0 : i32
    return %add3A_0, %c0_i32 : i32, i32
  }
  func.func @transform_2(%arg0: i32) -> (i32, i32) {
    %c0_i32 = arith.constant 0 : i32
    %c0_i32_0 = arith.constant 0 : i32
    %c0_i32_1 = arith.constant 0 : i32
    return %c0_i32, %c0_i32_0 : i32, i32
  }
}

module attributes {stable_mosaic.version = 14 : i64} {
  func.func @_mlp_body(%arg0: memref<2x1024x128xf32, #tpu.memory_space<vmem>>, %arg1: memref<1024x128xf32, #tpu.memory_space<vmem>>, %arg2: memref<1024x128xf32, #tpu.memory_space<vmem>>, %arg3: memref<128x128xf32, #tpu.memory_space<vmem>>, %arg4: memref<1x128xf32, #tpu.memory_space<vmem>>, %arg5: memref<128x128xf32, #tpu.memory_space<vmem>>, %arg6: memref<128x256xf32, #tpu.memory_space<vmem>>, %arg7: memref<128x256xf32, #tpu.memory_space<vmem>>, %arg8: memref<256x128xf32, #tpu.memory_space<vmem>>, %arg9: memref<1x128xf32, #tpu.memory_space<vmem>>, %arg10: memref<1x128xf32, #tpu.memory_space<vmem>>, %arg11: memref<1024x128xf32, #tpu.memory_space<vmem>>, %arg12: memref<1024x128xf32, #tpu.memory_space<vmem>>) attributes {dimension_semantics = [], scalar_prefetch = 0 : i64, scratch_operands = 0 : i64, tpu.core_type = #tpu.core_type<tc>} {
    %get3A = arith.constant 0 : index
    %get3A_0 = arith.constant 0 : index
    %get3A_1 = arith.constant 0 : index
    %get3A_2 = vector.load %arg0[%get3A, %get3A_0, %get3A_1] : memref<2x1024x128xf32, #tpu.memory_space<vmem>>, vector<1x1024x128xf32>
    %get3A_3 = vector.shape_cast %get3A_2 : vector<1x1024x128xf32> to vector<1024x128xf32>
    %get3A_4 = arith.constant 1 : index
    %get3A_5 = arith.constant 0 : index
    %get3A_6 = arith.constant 0 : index
    %get3A_7 = vector.load %arg0[%get3A_4, %get3A_5, %get3A_6] : memref<2x1024x128xf32, #tpu.memory_space<vmem>>, vector<1x1024x128xf32>
    %get3A_8 = vector.shape_cast %get3A_7 : vector<1x1024x128xf32> to vector<1024x128xf32>
    %add3A = arith.addf %get3A_3, %get3A_8 : vector<1024x128xf32>
    %get3A_9 = arith.constant 0 : index
    %get3A_10 = arith.constant 0 : index
    %get3A_11 = vector.load %arg1[%get3A_9, %get3A_10] : memref<1024x128xf32, #tpu.memory_space<vmem>>, vector<1024x128xf32>
    %add3A_12 = arith.addf %add3A, %get3A_11 : vector<1024x128xf32>
    %get3A_13 = arith.constant 0 : index
    %get3A_14 = arith.constant 0 : index
    %get3A_15 = vector.load %arg2[%get3A_13, %get3A_14] : memref<1024x128xf32, #tpu.memory_space<vmem>>, vector<1024x128xf32>
    %add3A_16 = arith.addf %add3A_12, %get3A_15 : vector<1024x128xf32>
    %swap3A = arith.constant 0 : index
    %swap3A_17 = arith.constant 0 : index
    %swap3A_18 = vector.load %arg11[%swap3A, %swap3A_17] : memref<1024x128xf32, #tpu.memory_space<vmem>>, vector<1024x128xf32>
    tpu.vector_store %arg11[%swap3A, %swap3A_17], %add3A_16 {strides = array<i32>} : memref<1024x128xf32, #tpu.memory_space<vmem>>, vector<1024x128xf32>,
    %get3A_19 = arith.constant 0 : index
    %get3A_20 = arith.constant 0 : index
    %get3A_21 = vector.load %arg3[%get3A_19, %get3A_20] : memref<128x128xf32, #tpu.memory_space<vmem>>, vector<128x128xf32>
    %dot_general3A = arith.constant dense<0.000000e+00> : vector<1024x128xf32>
    %dot_general3A_22 = tpu.matmul %add3A_16, %get3A_21, %dot_general3A {dimension_numbers = #tpu.dot_dimension_numbers<[1], [0], [0], [1], [0, 0, 1, 1], [], []>, transpose_lhs_hint = false} : vector<1024x128xf32>, vector<128x128xf32>, vector<1024x128xf32> -> vector<1024x128xf32>
    %get3A_23 = arith.constant 0 : index
    %get3A_24 = arith.constant 0 : index
    %get3A_25 = vector.load %arg4[%get3A_23, %get3A_24] : memref<1x128xf32, #tpu.memory_space<vmem>>, vector<1x128xf32>
    %add3A_26 = vector.broadcast %get3A_25 : vector<1x128xf32> to vector<1024x128xf32>
    %add3A_27 = arith.addf %dot_general3A_22, %add3A_26 : vector<1024x128xf32>
    %get3A_28 = arith.constant 0 : index
    %get3A_29 = arith.constant 0 : index
    %get3A_30 = vector.load %arg5[%get3A_28, %get3A_29] : memref<128x128xf32, #tpu.memory_space<vmem>>, vector<128x128xf32>
    %dot_general3A_31 = arith.constant dense<0.000000e+00> : vector<1024x128xf32>
    %dot_general3A_32 = tpu.matmul %add3A_27, %get3A_30, %dot_general3A_31 {dimension_numbers = #tpu.dot_dimension_numbers<[1], [0], [0], [1], [0, 0, 1, 1], [], []>, transpose_lhs_hint = false} : vector<1024x128xf32>, vector<128x128xf32>, vector<1024x128xf32> -> vector<1024x128xf32>
    %sub3A = arith.subf %add3A_27, %dot_general3A_32 : vector<1024x128xf32>
    %mul3A = arith.mulf %sub3A, %sub3A : vector<1024x128xf32>
    %get3A_33 = arith.constant 0 : index
    %get3A_34 = arith.constant 0 : index
    %get3A_35 = vector.load %arg5[%get3A_33, %get3A_34] : memref<128x128xf32, #tpu.memory_space<vmem>>, vector<128x128xf32>
    %dot_general3A_36 = arith.constant dense<0.000000e+00> : vector<1024x128xf32>
    %dot_general3A_37 = tpu.matmul %mul3A, %get3A_35, %dot_general3A_36 {dimension_numbers = #tpu.dot_dimension_numbers<[1], [0], [0], [1], [0, 0, 1, 1], [], []>, transpose_lhs_hint = false} : vector<1024x128xf32>, vector<128x128xf32>, vector<1024x128xf32> -> vector<1024x128xf32>
    %add3A_38 = arith.constant 9.99999974E-6 : f32
    %add3A_39 = vector.broadcast %add3A_38 : f32 to vector<1024x128xf32>
    %add3A_40 = arith.addf %dot_general3A_37, %add3A_39 : vector<1024x128xf32>
    %rsqrt3A = math.rsqrt %add3A_40 : vector<1024x128xf32>
    %mul3A_41 = arith.mulf %sub3A, %rsqrt3A : vector<1024x128xf32>
    %get3A_42 = arith.constant 0 : index
    %get3A_43 = arith.constant 0 : index
    %get3A_44 = vector.load %arg6[%get3A_42, %get3A_43] : memref<128x256xf32, #tpu.memory_space<vmem>>, vector<128x256xf32>
    %dot_general3A_45 = arith.constant dense<0.000000e+00> : vector<1024x256xf32>
    %dot_general3A_46 = tpu.matmul %mul3A_41, %get3A_44, %dot_general3A_45 {dimension_numbers = #tpu.dot_dimension_numbers<[1], [0], [0], [1], [0, 0, 1, 1], [], []>, transpose_lhs_hint = false} : vector<1024x128xf32>, vector<128x256xf32>, vector<1024x256xf32> -> vector<1024x256xf32>
    %get3A_47 = arith.constant 0 : index
    %get3A_48 = arith.constant 0 : index
    %get3A_49 = vector.load %arg7[%get3A_47, %get3A_48] : memref<128x256xf32, #tpu.memory_space<vmem>>, vector<128x256xf32>
    %dot_general3A_50 = arith.constant dense<0.000000e+00> : vector<1024x256xf32>
    %dot_general3A_51 = tpu.matmul %mul3A_41, %get3A_49, %dot_general3A_50 {dimension_numbers = #tpu.dot_dimension_numbers<[1], [0], [0], [1], [0, 0, 1, 1], [], []>, transpose_lhs_hint = false} : vector<1024x128xf32>, vector<128x256xf32>, vector<1024x256xf32> -> vector<1024x256xf32>
    %max3A = arith.constant 0.000000e+00 : f32
    %max3A_52 = vector.broadcast %max3A : f32 to vector<1024x256xf32>
    %max3A_53 = arith.maximumf %dot_general3A_46, %max3A_52 : vector<1024x256xf32>
    %mul3A_54 = arith.mulf %max3A_53, %dot_general3A_51 : vector<1024x256xf32>
    %get3A_55 = arith.constant 0 : index
    %get3A_56 = arith.constant 0 : index
    %get3A_57 = vector.load %arg8[%get3A_55, %get3A_56] : memref<256x128xf32, #tpu.memory_space<vmem>>, vector<256x128xf32>
    %dot_general3A_58 = arith.constant dense<0.000000e+00> : vector<1024x128xf32>
    %dot_general3A_59 = tpu.matmul %mul3A_54, %get3A_57, %dot_general3A_58 {dimension_numbers = #tpu.dot_dimension_numbers<[1], [0], [0], [1], [0, 0, 1, 1], [], []>, transpose_lhs_hint = false} : vector<1024x256xf32>, vector<256x128xf32>, vector<1024x128xf32> -> vector<1024x128xf32>
    %get3A_60 = arith.constant 0 : index
    %get3A_61 = arith.constant 0 : index
    %get3A_62 = vector.load %arg9[%get3A_60, %get3A_61] : memref<1x128xf32, #tpu.memory_space<vmem>>, vector<1x128xf32>
    %add3A_63 = vector.broadcast %get3A_62 : vector<1x128xf32> to vector<1024x128xf32>
    %add3A_64 = arith.addf %dot_general3A_59, %add3A_63 : vector<1024x128xf32>
    %get3A_65 = arith.constant 0 : index
    %get3A_66 = arith.constant 0 : index
    %get3A_67 = vector.load %arg10[%get3A_65, %get3A_66] : memref<1x128xf32, #tpu.memory_space<vmem>>, vector<1x128xf32>
    %exp3A = math.exp %get3A_67 : vector<1x128xf32>
    %mul3A_68 = vector.broadcast %exp3A : vector<1x128xf32> to vector<1024x128xf32>
    %mul3A_69 = arith.mulf %add3A_64, %mul3A_68 : vector<1024x128xf32>
    %swap3A_70 = arith.constant 0 : index
    %swap3A_71 = arith.constant 0 : index
    %swap3A_72 = vector.load %arg12[%swap3A_70, %swap3A_71] : memref<1024x128xf32, #tpu.memory_space<vmem>>, vector<1024x128xf32>
    tpu.vector_store %arg12[%swap3A_70, %swap3A_71], %mul3A_69 {strides = array<i32>} : memref<1024x128xf32, #tpu.memory_space<vmem>>, vector<1024x128xf32>,
    return
  }
}

</mosaic_0001>

<sc_bundles>
// kernel: kernel.6.cloned.1.call-start
scs
__scs_entry_jumppad:
0x0: {  	(pc) =	sbr.rel $0x88, $3  }
0x1: {  	(tag) =	ssettag $0x0;
	lr =	simm.s32 $0x1  }
0x2: {  	[smem:$0x3F97] =	sst lr;
	_ =	strace $0xD0000000  }
0x3: {  	_ = 	snop  }
0x4: {  	_ = 	snop  }
0x5: {  	_ = 	snop  }
0x6: {  	_ = 	snop  }
0x7: {  	_ = 	snop  }
__scs_overlays_trampoline_lowered:
0x8: {  	[smem:$0x3FA6] =	sst s0  }
0x9: {  	[smem:$0x3FA7] =	sst s1  }
0xa: {  	[smem:$0x3FA8] =	sst s2  }
0xb: {  	[smem:$0x3FA9] =	sst s3  }
0xc: {  	[smem:$0x3FAA] =	sst s4  }
0xd: {  	[smem:$0x3FAB] =	sst s5  }
0xe: {  	[smem:$0x3FAC] =	sst s6  }
0xf: {  	[smem:$0x3FAD] =	sst s7  }
0x10: {  	[smem:$0x3FAE] =	sst s8  }
0x11: {  	[smem:$0x3FAF] =	sst s9;
	s0 =	simm.s32 @!p0 $0x0  }
0x12: {  	s1 =	sld [smem:$0x3F95];
	s0 =	simm.s32 @p0 $0x1  }
0x13: {  	[smem:$0x3FB0] =	sst s0;
	s0 =	simm.s32 @!p1 $0x0  }
0x14: {  	s2 =	sld [smem:$0x3F94];
	s0 =	simm.s32 @p1 $0x1  }
0x15: {  	[smem:$0x3FB1] =	sst s0;
	s0 =	simm.s32 @!p2 $0x0  }
0x16: {  	s3 =	sld [smem:$0x3FDB];
	s0 =	simm.s32 @p2 $0x1  }
0x17: {  	s4 =	simm.s32 $0x1BF5;
	[smem:$0x3FB3] =	sst s0  }
0x18: {  	s0 =	sld [smem:$0x3F96];
	_ =	swait.ge [sflag:s4], $0x0  }
0x19: {  	s7 =	sld [smem:$0x3F97]  }
0x1a: {  	s8 =	sadd.s32 $0xFFFFE003, lr  }
0x1b: {  	s9 =	sadd.s32 $0xFFFFFEF7, lr;
	s5 =	simm.s32 $0xFFFFFFFF;
	p2 =	slt.u32 s8, $0xFFFFF086  }
0x1c: {  	p1 =	slt.u32 s9, $0xF7A;
	s5 =	simm.s32 @!p2 $0x0  }
0x1d: {  	s5 =	simm.s32 @p1 $0x1;
	p0 =	seq.s32 s7, s2  }
0x1e: {  	s7 =	smul.u32 @!p0 $0xF7A, s2;
	p2 =	seq.s32 @!p0 s5, $0x0  }
0x1f: {  	s9 =	smul.u32 $0xF7A, s1;
	s8 =	simm.s32 @!p0 $0x1BF5;
	p2 =	por !p2, p0  }
0x20: {  	[sflag:s8] =	ssyncset.s32 @!p0 $0xFFFFF086;
	s6 =	sadd.s32 @!p0 s3, s7;
	s7 =	simm.s32 @!p0 $0x108  }
0x21: {  	s3 =	sadd.s32 s3, s9;
	s6 =	sadd.s32 @!p0 $0x88, s6;
	s7 =	simm.s32 @p2 $0x1082  }
0x22: {  	[simem:s7], [sflag:s8] =	dma.local @!p0 [hbm:s6], $0xF7A  }
0x23: {  	s9 =	sor.u32 $0xD0000000, s2;
	s6 =	simm.s32 $0x108;
	_ =	swait.ge @!p0 [sflag:s8], $0x0  }
0x24: {  	s3 =	sadd.s32 $0x88, s3;
	s6 =	simm.s32 @!p1 $0x1082;
	[sflag:s4] =	ssyncset.s32 $0xFFFFF086  }
0x25: {  	[simem:s6], [sflag:s4] =	dma.local [hbm:s3], $0xF7A  }
0x26: {  	[smem:$0x3F97] =	sst s1;
	(tag) =	ssettag s2;
	_ =	strace s9  }
0x27: {  	s1 =	sld [smem:$0x3FA7]  }
0x28: {  	s2 =	sld [smem:$0x3FA8]  }
0x29: {  	s4 =	sld [smem:$0x3FAA]  }
0x2a: {  	p0 =	seq.s32 s5, $0x0;
	s5 =	sld [smem:$0x3FAB]  }
0x2b: {  	s6 =	sld [smem:$0x3FAC]  }
0x2c: {  	s7 =	sld [smem:$0x3FAD]  }
0x2d: {  	s3 =	simm.s32 $0x108;
	s8 =	sld [smem:$0x3FAE]  }
0x2e: {  	s3 =	simm.s32 @!p0 $0x1082;
	s9 =	sld [smem:$0x3FAF]  }
0x2f: {  	lr =	sadd.s32 s0, s3;
	s0 =	sld [smem:$0x3FA6]  }
0x30: {  	s3 =	sld [smem:$0x3FA9]  }
0x31: {  	[smem:$0x3FB2] =	sst s10  }
0x32: {  	s10 =	sld [smem:$0x3FB0];
	_ =	sdelay $0x3  }
0x33: {  	p0 =	seq.s32 s10, $0x1;
	s10 =	sld [smem:$0x3FB2];
	_ =	sdelay $0x3  }
0x34: {  	[smem:$0x3FB2] =	sst s10  }
0x35: {  	s10 =	sld [smem:$0x3FB1];
	_ =	sdelay $0x3  }
0x36: {  	p1 =	seq.s32 s10, $0x1;
	s10 =	sld [smem:$0x3FB2];
	_ =	sdelay $0x3  }
0x37: {  	[smem:$0x3FB2] =	sst s10  }
0x38: {  	s10 =	sld [smem:$0x3FB3]  }
0x39: {  	_ = 	snop;
	(pc) =	sbr.ind lr, $3  }
0x3a: {  	_ = 	snop  }
0x3b: {  	_ = 	snop  }
0x3c: {  	p2 =	seq.s32 s10, $0x1;
	s10 =	sld [smem:$0x3FB2]  }
0x3d: {  	_ =	shalt  }
0x3e: {  	_ =	shalt  }
0x3f: {  	_ =	shalt  }
0x40: {  	_ =	shalt  }
0x41: {  	_ =	shalt  }
0x42: {  	_ =	shalt  }
0x43: {  	_ =	shalt  }
0x44: {  	_ =	shalt  }
0x45: {  	_ =	shalt  }
0x46: {  	_ =	shalt  }
0x47: {  	_ =	shalt  }
0x48: {  	_ =	shalt  }
0x49: {  	_ =	shalt  }
0x4a: {  	_ =	shalt  }
0x4b: {  	_ =	shalt  }
0x4c: {  	_ =	shalt  }
0x4d: {  	_ =	shalt  }
0x4e: {  	_ =	shalt  }
0x4f: {  	_ =	shalt  }
0x50: {  	_ =	shalt  }
0x51: {  	_ =	shalt  }
0x52: {  	_ =	shalt  }
0x53: {  	_ =	shalt  }
0x54: {  	_ =	shalt  }
0x55: {  	_ =	shalt  }
0x56: {  	_ =	shalt  }
0x57: {  	_ =	shalt  }
0x58: {  	_ =	shalt  }
0x59: {  	_ =	shalt  }
0x5a: {  	_ =	shalt  }
0x5b: {  	_ =	shalt  }
0x5c: {  	_ =	shalt  }
0x5d: {  	_ =	shalt  }
0x5e: {  	_ =	shalt  }
0x5f: {  	_ =	shalt  }
0x60: {  	_ =	shalt  }
0x61: {  	_ =	shalt  }
0x62: {  	_ =	shalt  }
0x63: {  	_ =	shalt  }
0x64: {  	_ =	shalt  }
0x65: {  	_ =	shalt  }
0x66: {  	_ =	shalt  }
0x67: {  	_ =	shalt  }
0x68: {  	_ =	shalt  }
0x69: {  	_ =	shalt  }
0x6a: {  	_ =	shalt  }
0x6b: {  	_ =	shalt  }
0x6c: {  	_ =	shalt  }
0x6d: {  	_ =	shalt  }
0x6e: {  	_ =	shalt  }
0x6f: {  	_ =	shalt  }
0x70: {  	_ =	shalt  }
0x71: {  	_ =	shalt  }
0x72: {  	_ =	shalt  }
0x73: {  	_ =	shalt  }
0x74: {  	_ =	shalt  }
0x75: {  	_ =	shalt  }
0x76: {  	_ =	shalt  }
0x77: {  	_ =	shalt  }
0x78: {  	_ =	shalt  }
0x79: {  	_ =	shalt  }
0x7a: {  	_ =	shalt  }
0x7b: {  	_ =	shalt  }
0x7c: {  	_ =	shalt  }
0x7d: {  	_ =	shalt  }
0x7e: {  	_ =	shalt  }
0x7f: {  	_ =	shalt  }
0x80: {  	_ =	shalt  }
0x81: {  	_ =	shalt  }
0x82: {  	_ =	shalt  }
0x83: {  	_ =	shalt  }
0x84: {  	_ =	shalt  }
0x85: {  	_ =	shalt  }
0x86: {  	_ =	shalt  }
0x87: {  	_ =	shalt  }
.Lfunc_end0:
.L_simem_size_0:
called_computation_lowered:
.L_overlay_start_0:
0x88: {  	s2 =	sld [smem:$0x3FD9]  }
0x89: {  	s3 =	sld [smem:$0x3FFE];
	_ =	sdelay $0x1  }
0x8a: {  	s1 =	srdreg.scid  }
0x8b: {  	s0 =	sand.u32 $0x1, s1  }
0x8c: {  	s15 =	sshll.u32 s0, $0xA;
	s2 =	sadd.s32 s3, s2  }
0x8d: {  	s2 =	sadd.s32 s2, s15  }
0x8e: {  	[smem:$0x3FBE] =	sst s2  }
0x8f: {  	_ = 	snop  }
0x90: {  	s2 =	sld [smem:$0x3FD0];
	_ =	sdelay $0x1  }
0x91: {  	s16 =	sld [smem:$0x3FC9]  }
0x92: {  	s5 =	simm.s32 $0xA;
	s6 =	simm.s32 $0x10;
	s4 =	sld [smem:$0x3FC7]  }
0x93: {  	[smem:s6], [sflag:s5] =	dma.local [hbm:s2], $0x1  }
0x94: {  	_ =	swait.eq [sflag:s5], $0x1  }
0x95: {  	[sflag:s5] =	ssyncset.done $0x0  }
0x96: {  	[sflag:s5] =	ssyncadd.s32 $0xFFFFFFFF  }
0x97: {  	s17 =	sld [smem:$0x10];
	(tm) =	ssettm $0x1  }
0x98: {  	s18 =	sld [smem:$0x3FFB];
	_ =	sdelay $0x3  }
0x99: {  	_ =	strace s18  }
0x9a: {  	s5 =	sld [smem:$0x3FFC];
	_ =	sdelay $0x3  }
0x9b: {  	_ =	strace s5  }
0x9c: {  	s5 =	sld [smem:$0x3FFD];
	_ =	sdelay $0x3  }
0x9d: {  	_ =	strace s5  }
0x9e: {  	_ =	strace $0x8FFFFFFF  }
0x9f: {  	s19 =	sld [smem:$0x3FDB];
	_ =	sdelay $0x1  }
0xa0: {  	s20 =	simm.s32 $_scs_section_size  }
0xa1: {  	s7 =	simm.s32 $_size__tile_overlayer_lowered;
	s8 =	simm.s32 $_tile_overlayer_lowered  }
0xa2: {  	s23 =	simm.s32 $0x1BFF;
	s22 =	sshll.u32 s8, $0x1;
	s5 =	sadd.s32 s20, s19  }
0xa3: {  	s9 =	simm.s32 $0x0;
	s21 =	sshll.u32 s7, $0x1;
	s7 =	sadd.s32 s22, s5  }
0xa4: {  	[timem:s9], [sflag:s23] =	dma.local [hbm:s7], s21  }
0xa5: {  	_ =	swait.ge [sflag:s23], s21  }
0xa6: {  	s6 =	ssub.s32 $0x0, s21;
	[sflag:s23] =	ssyncset.done $0x0  }
0xa7: {  	[sflag:s23] =	ssyncadd.s32 s6;
	_ =	sdelay $0x1  }
0xa8: {  	s24 =	simm.s32 $0x1B8B  }
0xa9: {  	_ =	swait.ge [sflag:s24], $0x1  }
0xaa: {  	[sflag:s24] =	ssyncset.done $0x0  }
0xab: {  	s25 =	simm.s32 $0x1B8E;
	[sflag:s24] =	ssyncadd.s32 $0xFFFFFFFF  }
0xac: {  	s26 =	simm.s32 $execute0_lowered;
	[smem:$0x3FD2] =	sst s25  }
0xad: {  	s6 =	sshll.u32 s26, $0x1;
	_ =	strace $0x80000046;
	[dreg:$0x1] =	wrdreg $0xFFFFFFFF  }
0xae: {  	s28 =	simm.s32 $_size_execute0_lowered;
	s5 =	sadd.s32 s5, s6;
	[dreg:$0x0] =	wrdreg $0x0  }
0xaf: {  	s6 =	sshll.u32 s28, $0x1;
	[dreg:$0x2] =	wrdreg s5  }
0xb0: {  	[dreg:$0x3] =	wrdreg s6  }
0xb1: {  	[dreg:$0x4] =	wrdreg $0xC0  }
0xb2: {  	_ =	task [dreg:s9], $0x5FFFF  }
0xb3: {  	[dreg:$0x1] =	wrdreg $0xFFFFFFFF  }
0xb4: {  	[dreg:$0x0] =	wrdreg $0x60  }
0xb5: {  	[dreg:$0x2] =	wrdreg s16  }
0xb6: {  	[dreg:$0x3] =	wrdreg s4  }
0xb7: {  	[dreg:$0x4] =	wrdreg s17  }
0xb8: {  	[dreg:$0x5] =	wrdreg $0x188000  }
0xb9: {  	[dreg:$0x6] =	wrdreg $0x9  }
0xba: {  	_ =	task.clear_ibuf [dreg:s9], $0x7FFFF;
	_ =	strace $0x90000046  }
0xbb: {  	s29 =	simm.s32 $0x9;
	_ =	strace $0x80000048  }
0xbc: {  	_ =	swait.ge [sflag:s29], $0x1  }
0xbd: {  	[sflag:s29] =	ssyncadd.s32 $0xFFFFFFFF  }
0xbe: {  	_ =	strace $0x90000048  }
0xbf: {  	_ =	sfence  }
0xc0: {  	s30 =	sld [smem:$0x0];
	_ =	sdelay $0x2  }
0xc1: {  	s31 =	sshll.u32 s1, $0xD;
	s1 =	sshrl.u32 s1, $0x2  }
0xc2: {  	s3 =	sand.u32 $0x4000, s31;
	s1 =	sadd.s32 s1, s30  }
0xc3: {  	s0 =	sor.u32 s3, s0;
	s1 =	sshll.u32 s1, $0x11  }
0xc4: {  	s0 =	sor.u32 s1, s0  }
0xc5: {  	s0 =	sadd.s32 $0x8F2B, s0  }
0xc6: {  	[sflag:s0] =	ssyncadd.remote.s32 $0x1  }
0xc7: {  	_ =	sfence.sel $0xFFFF  }
0xc8: {  	[dreg:$0x0] =	wrdreg $0xFFFFFFFF;
	(pc) =	sbr.abs _section_cstart, $3  }
0xc9: {  	[dreg:$0x1] =	wrdreg $0xFFFFFFFF  }
0xca: {  	_ =	task.clear_ibuf [dreg:s9], $0x2FFFF;
	_ =	strace $0x9FFFFFFF  }
0xcb: {  	(tm) =	ssettm $0x7FFFFFFF  }
tec
execute0_lowered:
.L_overlay_start_1:
0x0: {  	(tag) =	ssettag $0x1  }
0x1: {  	s7 =	rddreg [dreg:$0x0]  }
0x2: {  	s8 =	rddreg [dreg:$0x1]  }
0x3: {  	s12 =	rddreg [dreg:$0x2]  }
0x4: {  	s2 =	rddreg [dreg:$0x3]  }
0x5: {  	s0 =	rddreg [dreg:$0x4]  }
0x6: {  	s3 =	simm.s32 $0x0;
	s4 =	srdreg.scid;
	s1 =	stileid.u32  }
0x7: {  	[smem:$0x7FF] =	sst s3;
	s11 =	sand.u32 $0x1, s4;
	s9 =	sshll.u32 s1, $0x1  }
0x8: {  	s10 =	sadd.s32 $0x10, s8;
	s21 =	sshll.u32 s1, $0xD;
	s31 =	sshll.u32 s1, $0xA  }
0x9: {  	_ =	strace $0x80000047;
	s6 =	sor.u32 s11, s9;
	s15 =	sshll.u32 s11, $0xE  }
0xa: {  	s12 =	sadd.s32 s12, s31;
	s16 =	sshll.u32 s6, $0x5;
	s5 =	sshll.u32 s6, $0x8  }
0xb: {  	s14 =	sshll.u32 s6, $0xC;
	s12 =	sadd.s32 s15, s12;
	s13 =	sadd.s32 s16, s10  }
0xc: {  	s5 =	sor.u32 $0x2000, s5;
	s17 =	sadd.s32 s7, s14;
	[dreg:$0x11] =	wrdreg s12  }
0xd: {  	s4 =	sadd.s32 s8, s16;
	s16 =	sor.u32 $0x40, s6;
	[dreg:$0x5] =	wrdreg s13  }
0xe: {  	s18 =	sshrl.u32 s5, $0x3;
	[dreg:$0x6] =	wrdreg s17;
	s20 =	sadd.s32 $0x410, s4  }
0xf: {  	s5 =	sshll.u32 s5, $0x4;
	s19 =	sadd.s32 s8, s18;
	[dreg:$0x8] =	wrdreg s20  }
0x10: {  	s17 =	sshll.u32 s16, $0x5;
	s22 =	sadd.s32 s7, s5;
	[dreg:$0x7] =	wrdreg s19  }
0x11: {  	s5 =	sadd.s32 s21, s2;
	s18 =	sadd.s32 s8, s17;
	[dreg:$0x9] =	wrdreg s22  }
0x12: {  	s23 =	sadd.s32 $0x400, s5;
	[dreg:$0x12] =	wrdreg s18  }
0x13: {  	s24 =	sadd.s32 $0x800, s5;
	[dreg:$0xa] =	wrdreg s23  }
0x14: {  	s25 =	sadd.s32 $0xC00, s5;
	[dreg:$0xb] =	wrdreg s24  }
0x15: {  	s11 =	ssub.s32 $0x2, s11;
	s26 =	sadd.s32 $0x1000, s5;
	[dreg:$0xc] =	wrdreg s25  }
0x16: {  	s12 =	simm.s32 $0x18400;
	s28 =	sadd.s32 $0x1400, s5;
	[dreg:$0xd] =	wrdreg s26  }
0x17: {  	s14 =	simm.s32 $0x1;
	s29 =	sadd.s32 $0x1800, s5;
	[dreg:$0xe] =	wrdreg s28  }
0x18: {  	s20 =	sshll.u32 s16, $0xC;
	s30 =	sadd.s32 $0x1C00, s5;
	[dreg:$0xf] =	wrdreg s29  }
0x19: {  	s21 =	sor.u32 $0x60, s6;
	s19 =	sadd.s32 s17, s10;
	[dreg:$0x10] =	wrdreg s30  }
0x1a: {  	s16 =	sor.u32 $0xA0, s6;
	s22 =	sadd.s32 s7, s20;
	[dreg:$0x13] =	wrdreg s19  }
0x1b: {  	s18 =	sshll.u32 s16, $0x5;
	s23 =	sshll.u32 s21, $0x5;
	[dreg:$0x14] =	wrdreg s22  }
0x1c: {  	s26 =	sshll.u32 s21, $0xC;
	s28 =	sor.u32 $0x80, s6;
	s19 =	sadd.s32 s8, s18  }
0x1d: {  	s20 =	sadd.s32 s18, s10;
	s21 =	sshll.u32 s16, $0xC;
	s22 =	sor.u32 $0xC0, s6  }
0x1e: {  	s18 =	sor.u32 $0x100, s6;
	s24 =	sadd.s32 s8, s23;
	[dreg:$0x1b] =	wrdreg s19  }
0x1f: {  	s25 =	sadd.s32 s23, s10;
	s29 =	sadd.s32 s7, s26;
	[dreg:$0x1c] =	wrdreg s20  }
0x20: {  	s30 =	sshll.u32 s28, $0x5;
	s15 =	sshll.u32 s28, $0xC;
	[dreg:$0x15] =	wrdreg s24  }
0x21: {  	s23 =	sadd.s32 s7, s21;
	s28 =	sshll.u32 s22, $0xC;
	[dreg:$0x16] =	wrdreg s25  }
0x22: {  	s20 =	sshll.u32 s18, $0x5;
	s21 =	sshrl.u32 s11, $0x1;
	[dreg:$0x17] =	wrdreg s29  }
0x23: {  	s31 =	sadd.s32 s8, s30;
	s13 =	sadd.s32 s30, s10;
	s17 =	sadd.s32 s7, s15  }
0x24: {  	s24 =	sshll.u32 s22, $0x5;
	[dreg:$0x1d] =	wrdreg s23;
	s29 =	sor.u32 $0xE0, s6  }
0x25: {  	s30 =	sadd.s32 s7, s28;
	s22 =	sadd.s32 s8, s20;
	[dreg:$0x18] =	wrdreg s31  }
0x26: {  	s11 =	ssub.s32 s11, s21;
	s23 =	sadd.s32 s20, s10;
	[dreg:$0x19] =	wrdreg s13  }
0x27: {  	s20 =	simm.s32 $0x3;
	s21 =	simm.s32 $0xC400;
	[dreg:$0x1a] =	wrdreg s17  }
0x28: {  	s25 =	sadd.s32 s8, s24;
	s26 =	sadd.s32 s24, s10;
	[smem:$0x7F4] =	sst s30  }
0x29: {  	s31 =	sshll.u32 s29, $0x5;
	s17 =	sshll.u32 s29, $0xC;
	[smem:$0x7F8] =	sst s22  }
0x2a: {  	s24 =	sshll.u32 s18, $0xC;
	[smem:$0x7F9] =	sst s23;
	s23 =	sor.u32 $0x120, s9  }
0x2b: {  	s13 =	simm.s32 $0x4;
	s18 =	simm.s32 $0x280;
	[dreg:$0x1e] =	wrdreg s25  }
0x2c: {  	s22 =	simm.s32 $0x14400;
	[dreg:$0x1f] =	wrdreg s26;
	s15 =	sadd.s32 s8, s31  }
0x2d: {  	s16 =	sadd.s32 s31, s10;
	s19 =	sadd.s32 s7, s17;
	s25 =	sor.u32 $0x120, s6  }
0x2e: {  	s26 =	sadd.s32 s7, s24;
	s6 =	smax.u32 s11, $0x1;
	s31 =	sor.u32 $0xE0, s9  }
0x2f: {  	s9 =	simm.s32 $0x100;
	s11 =	simm.s32 $0x8400;
	[smem:$0x7F5] =	sst s15  }
0x30: {  	s17 =	simm.s32 $0x200;
	p1 =	sgt.u32 s23, $0x137;
	[smem:$0x7F6] =	sst s16  }
0x31: {  	s23 =	simm.s32 $0x5;
	[smem:$0x7F7] =	sst s19;
	s28 =	sshll.u32 s25, $0x5  }
0x32: {  	[smem:$0x7FA] =	sst s26;
	s30 =	sshll.u32 s25, $0xC;
	p0 =	sgt.u32 s31, $0xF7  }
0x33: {  	s15 =	simm.s32 $0x2;
	s16 =	simm.s32 $0x4400;
	s8 =	sadd.s32 s8, s28  }
0x34: {  	s19 =	simm.s32 $0x10400;
	s29 =	sadd.s32 s28, s10;
	[smem:$0x7FB] =	sst s8  }
0x35: {  	s7 =	sadd.s32 s7, s30;
	s10 =	simm.s32 $0x180;
	[smem:$0x7FC] =	sst s29  }
0x36: {  	v0 =	vimm.f32 $0.0e+00;
	[smem:$0x7FD] =	sst s7;
	s7 =	simm.s32 $0x80;
	s8 =	simm.s32 $0x400  }
.LBB2_1:
0x37: {  	[tilespmem:s3], [sflag:$0x1] =	stream.linear.gather [hbm4b:s4+s3], $0x80, $0x38;
	[tilespmem:$0x1A800] =	vst v63  }
0x38: {  	s24 =	rddreg [dreg:$0x5]  }
0x39: {  	[tilespmem:s7], [sflag:$0x1] =	stream.linear.gather [hbm4b:s24+s3], $0x80, $0x38;
	[tilespmem:$0x1A800] =	vst v63  }
0x3a: {  	s25 =	rddreg [dreg:$0x6]  }
0x3b: {  	[tilespmem:s8], [sflag:$0x2] =	stream.linear.gather [hbm4b:s25+s3], $0x8000, $0x38;
	[tilespmem:$0x1A800] =	vst v63  }
0x3c: {  	s26 =	rddreg [dreg:$0x7]  }
0x3d: {  	[tilespmem:s9], [sflag:$0x1] =	stream.linear.gather [hbm4b:s26+s3], $0x80, $0x38;
	[tilespmem:$0x1A800] =	vst v63  }
0x3e: {  	s28 =	rddreg [dreg:$0x8]  }
0x3f: {  	[tilespmem:s10], [sflag:$0x1] =	stream.linear.gather [hbm4b:s28+s3], $0x80, $0x38;
	[tilespmem:$0x1A800] =	vst v63  }
0x40: {  	s29 =	rddreg [dreg:$0x9]  }
0x41: {  	[tilespmem:s11], [sflag:$0x2] =	stream.linear.gather [hbm4b:s29+s3], $0x8000, $0x38;
	[tilespmem:$0x1A800] =	vst v63  }
0x42: {  	[tilespmem:$0x18400] =	vst v0  }
0x43: {  	[tilespmem:$0x18410] =	vst v0  }
0x44: {  	[tilespmem:$0x18420] =	vst v0  }
0x45: {  	[tilespmem:$0x18430] =	vst v0  }
0x46: {  	[tilespmem:$0x18440] =	vst v0  }
0x47: {  	[tilespmem:$0x18450] =	vst v0  }
0x48: {  	[tilespmem:$0x18460] =	vst v0  }
0x49: {  	[tilespmem:$0x18470] =	vst v0  }
0x4a: {  	[tilespmem:$0x18480] =	vst v0  }
0x4b: {  	[tilespmem:$0x18490] =	vst v0  }
0x4c: {  	[tilespmem:$0x184A0] =	vst v0  }
0x4d: {  	[tilespmem:$0x184B0] =	vst v0  }
0x4e: {  	[tilespmem:$0x184C0] =	vst v0  }
0x4f: {  	[tilespmem:$0x184D0] =	vst v0  }
0x50: {  	[tilespmem:$0x184E0] =	vst v0  }
0x51: {  	[tilespmem:$0x184F0] =	vst v0  }
0x52: {  	[tilespmem:$0x18500] =	vst v0  }
0x53: {  	[tilespmem:$0x18510] =	vst v0  }
0x54: {  	[tilespmem:$0x18520] =	vst v0  }
0x55: {  	[tilespmem:$0x18530] =	vst v0  }
0x56: {  	[tilespmem:$0x18540] =	vst v0  }
0x57: {  	[tilespmem:$0x18550] =	vst v0  }
0x58: {  	[tilespmem:$0x18560] =	vst v0  }
0x59: {  	[tilespmem:$0x18570] =	vst v0  }
0x5a: {  	[tilespmem:$0x18580] =	vst v0  }
0x5b: {  	[tilespmem:$0x18590] =	vst v0  }
0x5c: {  	[tilespmem:$0x185A0] =	vst v0  }
0x5d: {  	[tilespmem:$0x185B0] =	vst v0  }
0x5e: {  	[tilespmem:$0x185C0] =	vst v0  }
0x5f: {  	[tilespmem:$0x185D0] =	vst v0  }
0x60: {  	[tilespmem:$0x185E0] =	vst v0  }
0x61: {  	[tilespmem:$0x185F0] =	vst v0  }
0x62: {  	[tilespmem:$0x18600] =	vst v0  }
0x63: {  	[tilespmem:$0x18610] =	vst v0  }
0x64: {  	[tilespmem:$0x18620] =	vst v0  }
0x65: {  	[tilespmem:$0x18630] =	vst v0  }
0x66: {  	[tilespmem:$0x18640] =	vst v0  }
0x67: {  	[tilespmem:$0x18650] =	vst v0  }
0x68: {  	[tilespmem:$0x18660] =	vst v0  }
0x69: {  	[tilespmem:$0x18670] =	vst v0  }
0x6a: {  	[tilespmem:$0x18680] =	vst v0  }
0x6b: {  	[tilespmem:$0x18690] =	vst v0  }
0x6c: {  	[tilespmem:$0x186A0] =	vst v0  }
0x6d: {  	[tilespmem:$0x186B0] =	vst v0  }
0x6e: {  	[tilespmem:$0x186C0] =	vst v0  }
0x6f: {  	[tilespmem:$0x186D0] =	vst v0  }
0x70: {  	[tilespmem:$0x186E0] =	vst v0  }
0x71: {  	[tilespmem:$0x186F0] =	vst v0  }
0x72: {  	[tilespmem:$0x18700] =	vst v0  }
0x73: {  	[tilespmem:$0x18710] =	vst v0  }
0x74: {  	[tilespmem:$0x18720] =	vst v0  }
0x75: {  	[tilespmem:$0x18730] =	vst v0  }
0x76: {  	[tilespmem:$0x18740] =	vst v0  }
0x77: {  	[tilespmem:$0x18750] =	vst v0  }
0x78: {  	[tilespmem:$0x18760] =	vst v0  }
0x79: {  	[tilespmem:$0x18770] =	vst v0  }
0x7a: {  	[tilespmem:$0x18780] =	vst v0  }
0x7b: {  	[tilespmem:$0x18790] =	vst v0  }
0x7c: {  	[tilespmem:$0x187A0] =	vst v0  }
0x7d: {  	[tilespmem:$0x187B0] =	vst v0  }
0x7e: {  	[tilespmem:$0x187C0] =	vst v0  }
0x7f: {  	[tilespmem:$0x187D0] =	vst v0  }
0x80: {  	[tilespmem:$0x187E0] =	vst v0  }
0x81: {  	[tilespmem:$0x187F0] =	vst v0  }
0x82: {  	[spmem:s5] =	stream.linear.scatter [tilespmem:s12], [sflag:$0x4], $0x400, $0x38;
	[tilespmem:$0x1A800] =	vst v63  }
0x83: {  	s30 =	rddreg [dreg:$0xa]  }
0x84: {  	[spmem:s30] =	stream.linear.scatter [tilespmem:s12], [sflag:$0x4], $0x400, $0x38;
	[tilespmem:$0x1A800] =	vst v63  }
0x85: {  	s31 =	rddreg [dreg:$0xb]  }
0x86: {  	[spmem:s31] =	stream.linear.scatter [tilespmem:s12], [sflag:$0x4], $0x400, $0x38;
	[tilespmem:$0x1A800] =	vst v63  }
0x87: {  	s26 =	rddreg [dreg:$0xc]  }
0x88: {  	[spmem:s26] =	stream.linear.scatter [tilespmem:s12], [sflag:$0x4], $0x400, $0x38;
	[tilespmem:$0x1A800] =	vst v63  }
0x89: {  	s28 =	rddreg [dreg:$0xd]  }
0x8a: {  	[spmem:s28] =	stream.linear.scatter [tilespmem:s12], [sflag:$0x4], $0x400, $0x38;
	[tilespmem:$0x1A800] =	vst v63  }
0x8b: {  	s29 =	rddreg [dreg:$0xe]  }
0x8c: {  	[spmem:s29] =	stream.linear.scatter [tilespmem:s12], [sflag:$0x4], $0x400, $0x38;
	[tilespmem:$0x1A800] =	vst v63  }
0x8d: {  	s30 =	rddreg [dreg:$0xf]  }
0x8e: {  	[spmem:s30] =	stream.linear.scatter [tilespmem:s12], [sflag:$0x4], $0x400, $0x38;
	[tilespmem:$0x1A800] =	vst v63  }
0x8f: {  	s31 =	rddreg [dreg:$0x10]  }
0x90: {  	[spmem:s31] =	stream.linear.scatter [tilespmem:s12], [sflag:$0x4], $0x400, $0x38;
	[tilespmem:$0x1A800] =	vst v63  }
0x91: {  	_ =	swait.ge [sflag:s13], $0x400  }
0x92: {  	[sflag:s13] =	ssyncset.done $0x0  }
0x93: {  	[sflag:s13] =	ssyncadd.s32 $0xFFFFFC00  }
0x94: {  	_ =	swait.ge [sflag:s13], $0x400  }
0x95: {  	[sflag:s13] =	ssyncset.done $0x0  }
0x96: {  	[sflag:s13] =	ssyncadd.s32 $0xFFFFFC00  }
0x97: {  	_ =	swait.ge [sflag:s13], $0x400  }
0x98: {  	[sflag:s13] =	ssyncset.done $0x0  }
0x99: {  	[sflag:s13] =	ssyncadd.s32 $0xFFFFFC00  }
0x9a: {  	_ =	swait.ge [sflag:s13], $0x400  }
0x9b: {  	[sflag:s13] =	ssyncset.done $0x0  }
0x9c: {  	[sflag:s13] =	ssyncadd.s32 $0xFFFFFC00  }
0x9d: {  	_ =	swait.ge [sflag:s13], $0x400  }
0x9e: {  	[sflag:s13] =	ssyncset.done $0x0  }
0x9f: {  	[sflag:s13] =	ssyncadd.s32 $0xFFFFFC00  }
0xa0: {  	_ =	swait.ge [sflag:s13], $0x400  }
0xa1: {  	[sflag:s13] =	ssyncset.done $0x0  }
0xa2: {  	[sflag:s13] =	ssyncadd.s32 $0xFFFFFC00  }
0xa3: {  	_ =	swait.ge [sflag:s13], $0x400  }
0xa4: {  	[sflag:s13] =	ssyncset.done $0x0  }
0xa5: {  	[sflag:s13] =	ssyncadd.s32 $0xFFFFFC00  }
0xa6: {  	_ =	swait.ge [sflag:s13], $0x400  }
0xa7: {  	[sflag:s13] =	ssyncset.done $0x0  }
0xa8: {  	[sflag:s13] =	ssyncadd.s32 $0xFFFFFC00  }
0xa9: {  	[bflag:$0x0] =	sbarrier.arrive $0xFFFF  }
0xaa: {  	_ =	swait.ge [sflag:s14], $0x80  }
0xab: {  	[sflag:s14] =	ssyncset.done $0x0  }
0xac: {  	[sflag:s14] =	ssyncadd.s32 $0xFFFFFF80  }
0xad: {  	_ =	swait.ge [sflag:s14], $0x80  }
0xae: {  	[sflag:s14] =	ssyncset.done $0x0  }
0xaf: {  	[sflag:s14] =	ssyncadd.s32 $0xFFFFFF80  }
0xb0: {  	_ =	swait.ge [sflag:s15], $0x8000  }
0xb1: {  	[sflag:s15] =	ssyncset.done $0x0  }
0xb2: {  	[sflag:s15] =	ssyncadd.s32 $0xFFFF8000  }
0xb3: {  	[spmem:s2] =	stream.indirect.scatter.add.f32 [tilespmem:s8], [sflag:$0x3], $0x80, s3, s7, $0xb8;
	[tilespmem:$0x1A800] =	vst v63  }
0xb4: {  	_ = 	snop  }
0xb5: {  	[spmem:s2] =	stream.indirect.scatter.add.f32 [tilespmem:s16], [sflag:$0x3], $0x80, s7, s7, $0xb8;
	[tilespmem:$0x1A800] =	vst v63  }
0xb6: {  	s25 =	rddreg [dreg:$0x12]  }
0xb7: {  	[tilespmem:s17], [sflag:$0x1] =	stream.linear.gather [hbm4b:s25+s3], $0x80, $0x38;
	[tilespmem:$0x1A800] =	vst v63  }
0xb8: {  	s26 =	rddreg [dreg:$0x13]  }
0xb9: {  	[tilespmem:s18], [sflag:$0x1] =	stream.linear.gather [hbm4b:s26+s3], $0x80, $0x38;
	[tilespmem:$0x1A800] =	vst v63  }
0xba: {  	s28 =	rddreg [dreg:$0x14]  }
0xbb: {  	[tilespmem:s19], [sflag:$0x2] =	stream.linear.gather [hbm4b:s28+s3], $0x8000, $0x38;
	[tilespmem:$0x1A800] =	vst v63  }
0xbc: {  	_ =	swait.ge [sflag:s14], $0x80  }
0xbd: {  	[sflag:s14] =	ssyncset.done $0x0  }
0xbe: {  	[sflag:s14] =	ssyncadd.s32 $0xFFFFFF80  }
0xbf: {  	_ =	swait.ge [sflag:s14], $0x80  }
0xc0: {  	[sflag:s14] =	ssyncset.done $0x0  }
0xc1: {  	[sflag:s14] =	ssyncadd.s32 $0xFFFFFF80  }
0xc2: {  	_ =	swait.ge [sflag:s15], $0x8000  }
0xc3: {  	[sflag:s15] =	ssyncset.done $0x0  }
0xc4: {  	[sflag:s15] =	ssyncadd.s32 $0xFFFF8000  }
0xc5: {  	_ =	swait.ge [sflag:s20], $0x4000  }
0xc6: {  	[sflag:s20] =	ssyncset.done $0x0  }
0xc7: {  	[sflag:s20] =	ssyncadd.s32 $0xFFFFC000  }
0xc8: {  	_ =	swait.ge [sflag:s20], $0x4000  }
0xc9: {  	[sflag:s20] =	ssyncset.done $0x0  }
0xca: {  	[sflag:s20] =	ssyncadd.s32 $0xFFFFC000  }
0xcb: {  	[spmem:s2] =	stream.indirect.scatter.add.f32 [tilespmem:s11], [sflag:$0x3], $0x80, s9, s7, $0xb8;
	[tilespmem:$0x1A800] =	vst v63  }
0xcc: {  	_ = 	snop  }
0xcd: {  	[spmem:s2] =	stream.indirect.scatter.add.f32 [tilespmem:s21], [sflag:$0x3], $0x80, s10, s7, $0xb8;
	[tilespmem:$0x1A800] =	vst v63  }
0xce: {  	s29 =	rddreg [dreg:$0x15]  }
0xcf: {  	[tilespmem:s3], [sflag:$0x1] =	stream.linear.gather [hbm4b:s29+s3], $0x80, $0x38;
	[tilespmem:$0x1A800] =	vst v63  }
0xd0: {  	s30 =	rddreg [dreg:$0x16]  }
0xd1: {  	[tilespmem:s7], [sflag:$0x1] =	stream.linear.gather [hbm4b:s30+s3], $0x80, $0x38;
	[tilespmem:$0x1A800] =	vst v63  }
0xd2: {  	s31 =	rddreg [dreg:$0x17]  }
0xd3: {  	[tilespmem:s8], [sflag:$0x2] =	stream.linear.gather [hbm4b:s31+s3], $0x8000, $0x38;
	[tilespmem:$0x1A800] =	vst v63  }
0xd4: {  	_ =	swait.ge [sflag:s14], $0x80  }
0xd5: {  	[sflag:s14] =	ssyncset.done $0x0  }
0xd6: {  	[sflag:s14] =	ssyncadd.s32 $0xFFFFFF80  }
0xd7: {  	_ =	swait.ge [sflag:s14], $0x80  }
0xd8: {  	[sflag:s14] =	ssyncset.done $0x0  }
0xd9: {  	[sflag:s14] =	ssyncadd.s32 $0xFFFFFF80  }
0xda: {  	_ =	swait.ge [sflag:s15], $0x8000  }
0xdb: {  	[sflag:s15] =	ssyncset.done $0x0  }
0xdc: {  	[sflag:s15] =	ssyncadd.s32 $0xFFFF8000  }
0xdd: {  	_ =	swait.ge [sflag:s20], $0x4000  }
0xde: {  	[sflag:s20] =	ssyncset.done $0x0  }
0xdf: {  	[sflag:s20] =	ssyncadd.s32 $0xFFFFC000  }
0xe0: {  	_ =	swait.ge [sflag:s20], $0x4000  }
0xe1: {  	[sflag:s20] =	ssyncset.done $0x0  }
0xe2: {  	[sflag:s20] =	ssyncadd.s32 $0xFFFFC000  }
0xe3: {  	[spmem:s2] =	stream.indirect.scatter.add.f32 [tilespmem:s19], [sflag:$0x3], $0x80, s17, s7, $0xb8;
	[tilespmem:$0x1A800] =	vst v63  }
0xe4: {  	_ = 	snop  }
0xe5: {  	[spmem:s2] =	stream.indirect.scatter.add.f32 [tilespmem:s22], [sflag:$0x3], $0x80, s18, s7, $0xb8;
	[tilespmem:$0x1A800] =	vst v63  }
0xe6: {  	s25 =	rddreg [dreg:$0x18]  }
0xe7: {  	[tilespmem:s9], [sflag:$0x1] =	stream.linear.gather [hbm4b:s25+s3], $0x80, $0x38;
	[tilespmem:$0x1A800] =	vst v63  }
0xe8: {  	s26 =	rddreg [dreg:$0x19]  }
0xe9: {  	[tilespmem:s10], [sflag:$0x1] =	stream.linear.gather [hbm4b:s26+s3], $0x80, $0x38;
	[tilespmem:$0x1A800] =	vst v63  }
0xea: {  	s28 =	rddreg [dreg:$0x1a]  }
0xeb: {  	[tilespmem:s11], [sflag:$0x2] =	stream.linear.gather [hbm4b:s28+s3], $0x8000, $0x38;
	[tilespmem:$0x1A800] =	vst v63  }
0xec: {  	_ =	swait.ge [sflag:s14], $0x80  }
0xed: {  	[sflag:s14] =	ssyncset.done $0x0  }
0xee: {  	[sflag:s14] =	ssyncadd.s32 $0xFFFFFF80  }
0xef: {  	_ =	swait.ge [sflag:s14], $0x80  }
0xf0: {  	[sflag:s14] =	ssyncset.done $0x0  }
0xf1: {  	[sflag:s14] =	ssyncadd.s32 $0xFFFFFF80  }
0xf2: {  	_ =	swait.ge [sflag:s15], $0x8000  }
0xf3: {  	[sflag:s15] =	ssyncset.done $0x0  }
0xf4: {  	[sflag:s15] =	ssyncadd.s32 $0xFFFF8000  }
0xf5: {  	_ =	swait.ge [sflag:s20], $0x4000  }
0xf6: {  	[sflag:s20] =	ssyncset.done $0x0  }
0xf7: {  	[sflag:s20] =	ssyncadd.s32 $0xFFFFC000  }
0xf8: {  	_ =	swait.ge [sflag:s20], $0x4000  }
0xf9: {  	[sflag:s20] =	ssyncset.done $0x0  }
0xfa: {  	[sflag:s20] =	ssyncadd.s32 $0xFFFFC000  }
0xfb: {  	[spmem:s2] =	stream.indirect.scatter.add.f32 [tilespmem:s8], [sflag:$0x3], $0x80, s3, s7, $0xb8;
	[tilespmem:$0x1A800] =	vst v63  }
0xfc: {  	_ = 	snop  }
0xfd: {  	[spmem:s2] =	stream.indirect.scatter.add.f32 [tilespmem:s16], [sflag:$0x3], $0x80, s7, s7, $0xb8;
	[tilespmem:$0x1A800] =	vst v63  }
0xfe: {  	s29 =	rddreg [dreg:$0x1b]  }
0xff: {  	[tilespmem:s17], [sflag:$0x1] =	stream.linear.gather [hbm4b:s29+s3], $0x80, $0x38;
	[tilespmem:$0x1A800] =	vst v63  }
0x100: {  	s30 =	rddreg [dreg:$0x1c]  }
0x101: {  	[tilespmem:s18], [sflag:$0x1] =	stream.linear.gather [hbm4b:s30+s3], $0x80, $0x38;
	[tilespmem:$0x1A800] =	vst v63  }
0x102: {  	s31 =	rddreg [dreg:$0x1d]  }
0x103: {  	[tilespmem:s19], [sflag:$0x2] =	stream.linear.gather [hbm4b:s31+s3], $0x8000, $0x38;
	[tilespmem:$0x1A800] =	vst v63  }
0x104: {  	_ =	swait.ge [sflag:s14], $0x80  }
0x105: {  	[sflag:s14] =	ssyncset.done $0x0  }
0x106: {  	[sflag:s14] =	ssyncadd.s32 $0xFFFFFF80  }
0x107: {  	_ =	swait.ge [sflag:s14], $0x80  }
0x108: {  	[sflag:s14] =	ssyncset.done $0x0  }
0x109: {  	[sflag:s14] =	ssyncadd.s32 $0xFFFFFF80  }
0x10a: {  	_ =	swait.ge [sflag:s15], $0x8000  }
0x10b: {  	[sflag:s15] =	ssyncset.done $0x0  }
0x10c: {  	[sflag:s15] =	ssyncadd.s32 $0xFFFF8000  }
0x10d: {  	_ =	swait.ge [sflag:s20], $0x4000  }
0x10e: {  	[sflag:s20] =	ssyncset.done $0x0  }
0x10f: {  	[sflag:s20] =	ssyncadd.s32 $0xFFFFC000  }
0x110: {  	_ =	swait.ge [sflag:s20], $0x4000  }
0x111: {  	[sflag:s20] =	ssyncset.done $0x0  }
0x112: {  	[sflag:s20] =	ssyncadd.s32 $0xFFFFC000  }
0x113: {  	[spmem:s2] =	stream.indirect.scatter.add.f32 [tilespmem:s11], [sflag:$0x3], $0x80, s9, s7, $0xb8;
	[tilespmem:$0x1A800] =	vst v63  }
0x114: {  	s25 =	rddreg [dreg:$0x1e]  }
0x115: {  	[spmem:s2] =	stream.indirect.scatter.add.f32 [tilespmem:s21], [sflag:$0x3], $0x80, s10, s7, $0xb8;
	[tilespmem:$0x1A800] =	vst v63  }
0x116: {  	s26 =	rddreg [dreg:$0x1f]  }
0x117: {  	[tilespmem:s3], [sflag:$0x1] =	stream.linear.gather [hbm4b:s25+s3], $0x80, $0x38;
	[tilespmem:$0x1A800] =	vst v63  }
0x118: {  	s28 =	sld [smem:$0x7F4]  }
0x119: {  	[tilespmem:s7], [sflag:$0x1] =	stream.linear.gather [hbm4b:s26+s3], $0x80, $0x38;
	[tilespmem:$0x1A800] =	vst v63  }
0x11a: {  	_ = 	snop  }
0x11b: {  	[tilespmem:s8], [sflag:$0x2] =	stream.linear.gather [hbm4b:s28+s3], $0x8000, $0x38;
	[tilespmem:$0x1A800] =	vst v63  }
0x11c: {  	_ =	swait.ge [sflag:s14], $0x80  }
0x11d: {  	[sflag:s14] =	ssyncset.done $0x0  }
0x11e: {  	[sflag:s14] =	ssyncadd.s32 $0xFFFFFF80  }
0x11f: {  	_ =	swait.ge [sflag:s14], $0x80  }
0x120: {  	[sflag:s14] =	ssyncset.done $0x0  }
0x121: {  	[sflag:s14] =	ssyncadd.s32 $0xFFFFFF80  }
0x122: {  	_ =	swait.ge [sflag:s15], $0x8000  }
0x123: {  	[sflag:s15] =	ssyncset.done $0x0  }
0x124: {  	[sflag:s15] =	ssyncadd.s32 $0xFFFF8000  }
0x125: {  	_ =	swait.ge [sflag:s20], $0x4000  }
0x126: {  	[sflag:s20] =	ssyncset.done $0x0  }
0x127: {  	[sflag:s20] =	ssyncadd.s32 $0xFFFFC000  }
0x128: {  	_ =	swait.ge [sflag:s20], $0x4000  }
0x129: {  	[sflag:s20] =	ssyncset.done $0x0  }
0x12a: {  	[sflag:s20] =	ssyncadd.s32 $0xFFFFC000  }
0x12b: {  	[spmem:s2] =	stream.indirect.scatter.add.f32 [tilespmem:s19], [sflag:$0x3], $0x80, s17, s7, $0xb8;
	[tilespmem:$0x1A800] =	vst v63  }
0x12c: {  	s29 =	sld [smem:$0x7F5]  }
0x12d: {  	[spmem:s2] =	stream.indirect.scatter.add.f32 [tilespmem:s22], [sflag:$0x3], $0x80, s18, s7, $0xb8;
	[tilespmem:$0x1A800] =	vst v63  }
0x12e: {  	s30 =	sld [smem:$0x7F6]  }
0x12f: {  	[tilespmem:s9], [sflag:$0x1] =	stream.linear.gather [hbm4b:s29+s3], $0x80, $0x38;
	[tilespmem:$0x1A800] =	vst v63  }
0x130: {  	s31 =	sld [smem:$0x7F7]  }
0x131: {  	[tilespmem:s10], [sflag:$0x1] =	stream.linear.gather [hbm4b:s30+s3], $0x80, $0x38;
	[tilespmem:$0x1A800] =	vst v63  }
0x132: {  	_ = 	snop  }
0x133: {  	[tilespmem:s11], [sflag:$0x2] =	stream.linear.gather [hbm4b:s31+s3], $0x8000, $0x38;
	[tilespmem:$0x1A800] =	vst v63  }
0x134: {  	_ =	swait.ge [sflag:s14], $0x80  }
0x135: {  	[sflag:s14] =	ssyncset.done $0x0  }
0x136: {  	[sflag:s14] =	ssyncadd.s32 $0xFFFFFF80  }
0x137: {  	_ =	swait.ge [sflag:s14], $0x80  }
0x138: {  	[sflag:s14] =	ssyncset.done $0x0  }
0x139: {  	[sflag:s14] =	ssyncadd.s32 $0xFFFFFF80  }
0x13a: {  	_ =	swait.ge [sflag:s15], $0x8000  }
0x13b: {  	[sflag:s15] =	ssyncset.done $0x0  }
0x13c: {  	[sflag:s15] =	ssyncadd.s32 $0xFFFF8000  }
0x13d: {  	_ =	swait.ge [sflag:s20], $0x4000  }
0x13e: {  	[sflag:s20] =	ssyncset.done $0x0  }
0x13f: {  	[sflag:s20] =	ssyncadd.s32 $0xFFFFC000  }
0x140: {  	_ =	swait.ge [sflag:s20], $0x4000  }
0x141: {  	[sflag:s20] =	ssyncset.done $0x0  }
0x142: {  	[sflag:s20] =	ssyncadd.s32 $0xFFFFC000  }
0x143: {  	[spmem:s2] =	stream.indirect.scatter.add.f32 [tilespmem:s8], [sflag:$0x3], $0x80, s3, s7, $0xb8;
	[tilespmem:$0x1A800] =	vst v63  }
0x144: {  	s25 =	sld [smem:$0x7F8]  }
0x145: {  	[spmem:s2] =	stream.indirect.scatter.add.f32 [tilespmem:s16], [sflag:$0x3], $0x80, s7, s7, $0xb8;
	[tilespmem:$0x1A800] =	vst v63  }
0x146: {  	s26 =	sld [smem:$0x7F9]  }
0x147: {  	[tilespmem:s17], [sflag:$0x1] =	stream.linear.gather [hbm4b:s25+s3], $0x80, $0x38;
	[tilespmem:$0x1A800] =	vst v63  }
0x148: {  	s28 =	sld [smem:$0x7FA]  }
0x149: {  	[tilespmem:s18], [sflag:$0x1] =	stream.linear.gather [hbm4b:s26+s3], $0x80, $0x38;
	[tilespmem:$0x1A800] =	vst v63  }
0x14a: {  	_ = 	snop  }
0x14b: {  	[tilespmem:s19], [sflag:$0x2] =	stream.linear.gather [hbm4b:s28+s3], $0x8000, $0x38;
	[tilespmem:$0x1A800] =	vst v63  }
0x14c: {  	_ =	swait.ge [sflag:s14], $0x80  }
0x14d: {  	[sflag:s14] =	ssyncset.done $0x0  }
0x14e: {  	[sflag:s14] =	ssyncadd.s32 $0xFFFFFF80  }
0x14f: {  	_ =	swait.ge [sflag:s14], $0x80  }
0x150: {  	[sflag:s14] =	ssyncset.done $0x0  }
0x151: {  	[sflag:s14] =	ssyncadd.s32 $0xFFFFFF80  }
0x152: {  	_ =	swait.ge [sflag:s15], $0x8000  }
0x153: {  	[sflag:s15] =	ssyncset.done $0x0  }
0x154: {  	[sflag:s15] =	ssyncadd.s32 $0xFFFF8000  }
0x155: {  	_ =	swait.ge [sflag:s20], $0x4000  }
0x156: {  	[sflag:s20] =	ssyncset.done $0x0  }
0x157: {  	[sflag:s20] =	ssyncadd.s32 $0xFFFFC000  }
0x158: {  	_ =	swait.ge [sflag:s20], $0x4000  }
0x159: {  	[sflag:s20] =	ssyncset.done $0x0  }
0x15a: {  	[sflag:s20] =	ssyncadd.s32 $0xFFFFC000  }
0x15b: {  	[spmem:s2] =	stream.indirect.scatter.add.f32 [tilespmem:s11], [sflag:$0x3], $0x80, s9, s7, $0xb8;
	[tilespmem:$0x1A800] =	vst v63  }
0x15c: {  	s24 =	sld [smem:$0x7FB]  }
0x15d: {  	[spmem:s2] =	stream.indirect.scatter.add.f32 [tilespmem:s21], [sflag:$0x3], $0x80, s10, s7, $0xb8;
	[tilespmem:$0x1A800] =	vst v63  }
0x15e: {  	s25 =	simm.s32 @!p0 $0x0;
	s26 =	sld [smem:$0x7FC]  }
0x15f: {  	[tilespmem:s25], [sflag:$0x1] =	stream.linear.gather @!p0 [hbm4b:s24+s25], $0x80, $0x38;
	[tilespmem:$0x1A800] =	vst v63  }
0x160: {  	s28 =	sld [smem:$0x7FD];
	s24 =	simm.s32 @!p0 $0x80  }
0x161: {  	[tilespmem:s24], [sflag:$0x1] =	stream.linear.gather @!p0 [hbm4b:s26+s25], $0x80, $0x38;
	[tilespmem:$0x1A800] =	vst v63  }
0x162: {  	s24 =	simm.s32 @!p0 $0x400  }
0x163: {  	[tilespmem:s24], [sflag:$0x2] =	stream.linear.gather @!p0 [hbm4b:s28+s25], $0x8000, $0x38;
	[tilespmem:$0x1A800] =	vst v63  }
0x164: {  	_ =	swait.ge [sflag:s14], $0x80  }
0x165: {  	[sflag:s14] =	ssyncset.done $0x0  }
0x166: {  	[sflag:s14] =	ssyncadd.s32 $0xFFFFFF80  }
0x167: {  	_ =	swait.ge [sflag:s14], $0x80  }
0x168: {  	[sflag:s14] =	ssyncset.done $0x0  }
0x169: {  	[sflag:s14] =	ssyncadd.s32 $0xFFFFFF80  }
0x16a: {  	_ =	swait.ge [sflag:s15], $0x8000  }
0x16b: {  	[sflag:s15] =	ssyncset.done $0x0  }
0x16c: {  	[sflag:s15] =	ssyncadd.s32 $0xFFFF8000  }
0x16d: {  	_ =	swait.ge [sflag:s20], $0x4000  }
0x16e: {  	[sflag:s20] =	ssyncset.done $0x0  }
0x16f: {  	[sflag:s20] =	ssyncadd.s32 $0xFFFFC000  }
0x170: {  	_ =	swait.ge [sflag:s20], $0x4000  }
0x171: {  	[sflag:s20] =	ssyncset.done $0x0  }
0x172: {  	[sflag:s20] =	ssyncadd.s32 $0xFFFFC000  }
0x173: {  	[spmem:s2] =	stream.indirect.scatter.add.f32 [tilespmem:s19], [sflag:$0x3], $0x80, s17, s7, $0xb8;
	[tilespmem:$0x1A800] =	vst v63  }
0x174: {  	s24 =	simm.s32 @!p1 $0x1  }
0x175: {  	[spmem:s2] =	stream.indirect.scatter.add.f32 [tilespmem:s22], [sflag:$0x3], $0x80, s18, s7, $0xb8;
	[tilespmem:$0x1A800] =	vst v63  }
0x176: {  	_ =	swait.ge @!p1 [sflag:s24], $0x80  }
0x177: {  	[sflag:s24] =	ssyncset.done @!p1 $0x0  }
0x178: {  	[sflag:s24] =	ssyncadd.s32 @!p1 $0xFFFFFF80  }
0x179: {  	_ =	swait.ge @!p1 [sflag:s24], $0x80  }
0x17a: {  	[sflag:s24] =	ssyncset.done @!p1 $0x0  }
0x17b: {  	[sflag:s24] =	ssyncadd.s32 @!p1 $0xFFFFFF80;
	s24 =	simm.s32 @!p1 $0x2  }
0x17c: {  	_ =	swait.ge @!p1 [sflag:s24], $0x8000  }
0x17d: {  	[sflag:s24] =	ssyncset.done @!p1 $0x0  }
0x17e: {  	[sflag:s24] =	ssyncadd.s32 @!p1 $0xFFFF8000;
	s24 =	simm.s32 @!p1 $0x3  }
0x17f: {  	_ =	swait.ge @!p1 [sflag:s24], $0x4000  }
0x180: {  	[sflag:s24] =	ssyncset.done @!p1 $0x0  }
0x181: {  	[sflag:s24] =	ssyncadd.s32 @!p1 $0xFFFFC000  }
0x182: {  	_ =	swait.ge @!p1 [sflag:s24], $0x4000  }
0x183: {  	s26 =	simm.s32 @!p1 $0x400;
	[sflag:s24] =	ssyncset.done @!p1 $0x0  }
0x184: {  	s25 =	simm.s32 @!p1 $0x0;
	[sflag:s24] =	ssyncadd.s32 @!p1 $0xFFFFC000;
	s24 =	simm.s32 @!p1 $0x80  }
0x185: {  	[spmem:s2] =	stream.indirect.scatter.add.f32 @!p1 [tilespmem:s26], [sflag:$0x3], $0x80, s25, s24, $0xb8;
	[tilespmem:$0x1A800] =	vst v63  }
0x186: {  	s25 =	simm.s32 @!p1 $0x4400  }
0x187: {  	[spmem:s2] =	stream.indirect.scatter.add.f32 @!p1 [tilespmem:s25], [sflag:$0x3], $0x80, s24, s24, $0xb8;
	[tilespmem:$0x1A800] =	vst v63  }
0x188: {  	_ =	swait.ge [sflag:s20], $0x4000  }
0x189: {  	[sflag:s20] =	ssyncset.done $0x0  }
0x18a: {  	[sflag:s20] =	ssyncadd.s32 $0xFFFFC000  }
0x18b: {  	_ =	swait.ge [sflag:s20], $0x4000  }
0x18c: {  	s6 =	sadd.s32 $0xFFFFFFFF, s6;
	[sflag:s20] =	ssyncset.done $0x0  }
0x18d: {  	p2 =	sne.s32 s6, $0x0;
	[sflag:s20] =	ssyncadd.s32 $0xFFFFC000  }
0x18e: {  	s30 =	sshll.u32 s1, $0x6;
	s31 =	sshrl.u32 s5, $0x3;
	[bflag:$0x0] =	sbarrier.arrive $0xFFFF  }
.Ltmp0:
0x18f: {  	s25 =	sor.u32 $0x1C05, s30;
	s29 =	rddreg [dreg:$0x11];
	(pc) =	sbr.rel @p2 .LBB2_1-.Ltmp0, $4  }
0x190: {  	[hbm:s29], [sflag:s25] =	dma.local [spmem:s31], $0x400  }
0x191: {  	_ =	swait.ge [sflag:s23], $0x400  }
0x192: {  	[sflag:s23] =	ssyncset.done $0x0  }
0x193: {  	[sflag:s23] =	ssyncadd.s32 $0xFFFFFC00  }
0x194: {  	_ =	sfence.sel $0x180000  }
0x195: {  	[bflag:$0x0] =	sbarrier.arrive $0xFFFF  }
0x196: {  	p0 =	sne.s32 s1, $0x0;
	_ =	strace $0x90000047  }
0x197: {  	s0 =	sadd.s32 @!p0 $0x100000, s0;
	[bflag:$0x2] =	sbarrier.arrive $0xFFFF  }
0x198: {  	[sflag:s0] =	ssyncadd.tile.s32 @!p0 $0x1;
	_ =	shalt  }
.Lfunc_end2:
_tile_overlayer_lowered:
.L_overlay_start_2:
0x199: {  	(tag) =	ssettag $0x2  }
0x19a: {  	s0 =	rddreg [dreg:$0x0];
	s2 =	stileid.u32  }
0x19b: {  	s1 =	rddreg [dreg:$0x1];
	p0 =	sne.s32 s2, $0x0  }
0x19c: {  	s3 =	rddreg [dreg:$0x2];
	[bflag:$0x3] =	sbarrier.arrive $0xFFFF;
	s2 =	simm.s32 @!p0 $0x1C05  }
0x19d: {  	[timem:s3], [sflag:s2] =	dma.local @!p0 [hbm:s0], s1  }
0x19e: {  	s0 =	simm.s32 @!p0 $0x5  }
0x19f: {  	_ =	swait.ge @!p0 [sflag:s0], s1  }
0x1a0: {  	s1 =	ssub.s32 @!p0 $0x0, s1;
	[sflag:s0] =	ssyncset.done @!p0 $0x0  }
0x1a1: {  	[sflag:s0] =	ssyncadd.s32 @!p0 s1  }
0x1a2: {  	[bflag:$0x3] =	sbarrier.arrive $0xFFFF  }
0x1a3: {  	_ =	shalt  }

// kernel: kernel.9.cloned.1.call-start
scs
__scs_entry_jumppad:
0x0: {  	(pc) =	sbr.rel $0x88, $3  }
0x1: {  	(tag) =	ssettag $0x0;
	lr =	simm.s32 $0x1  }
0x2: {  	[smem:$0x3F97] =	sst lr;
	_ =	strace $0xD0000000  }
0x3: {  	_ = 	snop  }
0x4: {  	_ = 	snop  }
0x5: {  	_ = 	snop  }
0x6: {  	_ = 	snop  }
0x7: {  	_ = 	snop  }
__scs_overlays_trampoline_lowered:
0x8: {  	[smem:$0x3FA6] =	sst s0  }
0x9: {  	[smem:$0x3FA7] =	sst s1  }
0xa: {  	[smem:$0x3FA8] =	sst s2  }
0xb: {  	[smem:$0x3FA9] =	sst s3  }
0xc: {  	[smem:$0x3FAA] =	sst s4  }
0xd: {  	[smem:$0x3FAB] =	sst s5  }
0xe: {  	[smem:$0x3FAC] =	sst s6  }
0xf: {  	[smem:$0x3FAD] =	sst s7  }
0x10: {  	[smem:$0x3FAE] =	sst s8  }
0x11: {  	[smem:$0x3FAF] =	sst s9;
	s0 =	simm.s32 @!p0 $0x0  }
0x12: {  	s1 =	sld [smem:$0x3F95];
	s0 =	simm.s32 @p0 $0x1  }
0x13: {  	[smem:$0x3FB0] =	sst s0;
	s0 =	simm.s32 @!p1 $0x0  }
0x14: {  	s2 =	sld [smem:$0x3F94];
	s0 =	simm.s32 @p1 $0x1  }
0x15: {  	[smem:$0x3FB1] =	sst s0;
	s0 =	simm.s32 @!p2 $0x0  }
0x16: {  	s3 =	sld [smem:$0x3FDB];
	s0 =	simm.s32 @p2 $0x1  }
0x17: {  	s4 =	simm.s32 $0x1BF5;
	[smem:$0x3FB3] =	sst s0  }
0x18: {  	s0 =	sld [smem:$0x3F96];
	_ =	swait.ge [sflag:s4], $0x0  }
0x19: {  	s7 =	sld [smem:$0x3F97]  }
0x1a: {  	s8 =	sadd.s32 $0xFFFFE003, lr  }
0x1b: {  	s9 =	sadd.s32 $0xFFFFFEF7, lr;
	s5 =	simm.s32 $0xFFFFFFFF;
	p2 =	slt.u32 s8, $0xFFFFF086  }
0x1c: {  	p1 =	slt.u32 s9, $0xF7A;
	s5 =	simm.s32 @!p2 $0x0  }
0x1d: {  	s5 =	simm.s32 @p1 $0x1;
	p0 =	seq.s32 s7, s2  }
0x1e: {  	s7 =	smul.u32 @!p0 $0xF7A, s2;
	p2 =	seq.s32 @!p0 s5, $0x0  }
0x1f: {  	s9 =	smul.u32 $0xF7A, s1;
	s8 =	simm.s32 @!p0 $0x1BF5;
	p2 =	por !p2, p0  }
0x20: {  	[sflag:s8] =	ssyncset.s32 @!p0 $0xFFFFF086;
	s6 =	sadd.s32 @!p0 s3, s7;
	s7 =	simm.s32 @!p0 $0x108  }
0x21: {  	s3 =	sadd.s32 s3, s9;
	s6 =	sadd.s32 @!p0 $0x88, s6;
	s7 =	simm.s32 @p2 $0x1082  }
0x22: {  	[simem:s7], [sflag:s8] =	dma.local @!p0 [hbm:s6], $0xF7A  }
0x23: {  	s9 =	sor.u32 $0xD0000000, s2;
	s6 =	simm.s32 $0x108;
	_ =	swait.ge @!p0 [sflag:s8], $0x0  }
0x24: {  	s3 =	sadd.s32 $0x88, s3;
	s6 =	simm.s32 @!p1 $0x1082;
	[sflag:s4] =	ssyncset.s32 $0xFFFFF086  }
0x25: {  	[simem:s6], [sflag:s4] =	dma.local [hbm:s3], $0xF7A  }
0x26: {  	[smem:$0x3F97] =	sst s1;
	(tag) =	ssettag s2;
	_ =	strace s9  }
0x27: {  	s1 =	sld [smem:$0x3FA7]  }
0x28: {  	s2 =	sld [smem:$0x3FA8]  }
0x29: {  	s4 =	sld [smem:$0x3FAA]  }
0x2a: {  	p0 =	seq.s32 s5, $0x0;
	s5 =	sld [smem:$0x3FAB]  }
0x2b: {  	s6 =	sld [smem:$0x3FAC]  }
0x2c: {  	s7 =	sld [smem:$0x3FAD]  }
0x2d: {  	s3 =	simm.s32 $0x108;
	s8 =	sld [smem:$0x3FAE]  }
0x2e: {  	s3 =	simm.s32 @!p0 $0x1082;
	s9 =	sld [smem:$0x3FAF]  }
0x2f: {  	lr =	sadd.s32 s0, s3;
	s0 =	sld [smem:$0x3FA6]  }
0x30: {  	s3 =	sld [smem:$0x3FA9]  }
0x31: {  	[smem:$0x3FB2] =	sst s10  }
0x32: {  	s10 =	sld [smem:$0x3FB0];
	_ =	sdelay $0x3  }
0x33: {  	p0 =	seq.s32 s10, $0x1;
	s10 =	sld [smem:$0x3FB2];
	_ =	sdelay $0x3  }
0x34: {  	[smem:$0x3FB2] =	sst s10  }
0x35: {  	s10 =	sld [smem:$0x3FB1];
	_ =	sdelay $0x3  }
0x36: {  	p1 =	seq.s32 s10, $0x1;
	s10 =	sld [smem:$0x3FB2];
	_ =	sdelay $0x3  }
0x37: {  	[smem:$0x3FB2] =	sst s10  }
0x38: {  	s10 =	sld [smem:$0x3FB3]  }
0x39: {  	_ = 	snop;
	(pc) =	sbr.ind lr, $3  }
0x3a: {  	_ = 	snop  }
0x3b: {  	_ = 	snop  }
0x3c: {  	p2 =	seq.s32 s10, $0x1;
	s10 =	sld [smem:$0x3FB2]  }
0x3d: {  	_ =	shalt  }
0x3e: {  	_ =	shalt  }
0x3f: {  	_ =	shalt  }
0x40: {  	_ =	shalt  }
0x41: {  	_ =	shalt  }
0x42: {  	_ =	shalt  }
0x43: {  	_ =	shalt  }
0x44: {  	_ =	shalt  }
0x45: {  	_ =	shalt  }
0x46: {  	_ =	shalt  }
0x47: {  	_ =	shalt  }
0x48: {  	_ =	shalt  }
0x49: {  	_ =	shalt  }
0x4a: {  	_ =	shalt  }
0x4b: {  	_ =	shalt  }
0x4c: {  	_ =	shalt  }
0x4d: {  	_ =	shalt  }
0x4e: {  	_ =	shalt  }
0x4f: {  	_ =	shalt  }
0x50: {  	_ =	shalt  }
0x51: {  	_ =	shalt  }
0x52: {  	_ =	shalt  }
0x53: {  	_ =	shalt  }
0x54: {  	_ =	shalt  }
0x55: {  	_ =	shalt  }
0x56: {  	_ =	shalt  }
0x57: {  	_ =	shalt  }
0x58: {  	_ =	shalt  }
0x59: {  	_ =	shalt  }
0x5a: {  	_ =	shalt  }
0x5b: {  	_ =	shalt  }
0x5c: {  	_ =	shalt  }
0x5d: {  	_ =	shalt  }
0x5e: {  	_ =	shalt  }
0x5f: {  	_ =	shalt  }
0x60: {  	_ =	shalt  }
0x61: {  	_ =	shalt  }
0x62: {  	_ =	shalt  }
0x63: {  	_ =	shalt  }
0x64: {  	_ =	shalt  }
0x65: {  	_ =	shalt  }
0x66: {  	_ =	shalt  }
0x67: {  	_ =	shalt  }
0x68: {  	_ =	shalt  }
0x69: {  	_ =	shalt  }
0x6a: {  	_ =	shalt  }
0x6b: {  	_ =	shalt  }
0x6c: {  	_ =	shalt  }
0x6d: {  	_ =	shalt  }
0x6e: {  	_ =	shalt  }
0x6f: {  	_ =	shalt  }
0x70: {  	_ =	shalt  }
0x71: {  	_ =	shalt  }
0x72: {  	_ =	shalt  }
0x73: {  	_ =	shalt  }
0x74: {  	_ =	shalt  }
0x75: {  	_ =	shalt  }
0x76: {  	_ =	shalt  }
0x77: {  	_ =	shalt  }
0x78: {  	_ =	shalt  }
0x79: {  	_ =	shalt  }
0x7a: {  	_ =	shalt  }
0x7b: {  	_ =	shalt  }
0x7c: {  	_ =	shalt  }
0x7d: {  	_ =	shalt  }
0x7e: {  	_ =	shalt  }
0x7f: {  	_ =	shalt  }
0x80: {  	_ =	shalt  }
0x81: {  	_ =	shalt  }
0x82: {  	_ =	shalt  }
0x83: {  	_ =	shalt  }
0x84: {  	_ =	shalt  }
0x85: {  	_ =	shalt  }
0x86: {  	_ =	shalt  }
0x87: {  	_ =	shalt  }
.Lfunc_end0:
.L_simem_size_0:
called_computation.1_lowered:
.L_overlay_start_0:
0x88: {  	s2 =	sld [smem:$0x3FD9]  }
0x89: {  	s3 =	sld [smem:$0x3FFE];
	_ =	sdelay $0x1  }
0x8a: {  	s1 =	srdreg.scid  }
0x8b: {  	s0 =	sand.u32 $0x1, s1  }
0x8c: {  	s14 =	sshll.u32 s0, $0xA;
	s2 =	sadd.s32 s3, s2  }
0x8d: {  	s2 =	sadd.s32 s2, s14  }
0x8e: {  	[smem:$0x3FBE] =	sst s2  }
0x8f: {  	_ = 	snop  }
0x90: {  	s2 =	sld [smem:$0x3FD0];
	_ =	sdelay $0x2  }
0x91: {  	s4 =	simm.s32 $0xA;
	s5 =	simm.s32 $0x10;
	s15 =	sld [smem:$0x3FC7]  }
0x92: {  	[smem:s5], [sflag:s4] =	dma.local [hbm:s2], $0x1  }
0x93: {  	_ =	swait.eq [sflag:s4], $0x1  }
0x94: {  	[sflag:s4] =	ssyncset.done $0x0  }
0x95: {  	[sflag:s4] =	ssyncadd.s32 $0xFFFFFFFF  }
0x96: {  	s16 =	sld [smem:$0x10];
	(tm) =	ssettm $0x1  }
0x97: {  	s17 =	sld [smem:$0x3FFB];
	_ =	sdelay $0x3  }
0x98: {  	_ =	strace s17  }
0x99: {  	s4 =	sld [smem:$0x3FFC];
	_ =	sdelay $0x3  }
0x9a: {  	_ =	strace s4  }
0x9b: {  	s4 =	sld [smem:$0x3FFD];
	_ =	sdelay $0x3  }
0x9c: {  	_ =	strace s4  }
0x9d: {  	_ =	strace $0x8FFFFFFF  }
0x9e: {  	s18 =	sld [smem:$0x3FDB];
	_ =	sdelay $0x1  }
0x9f: {  	s19 =	simm.s32 $_scs_section_size  }
0xa0: {  	s6 =	simm.s32 $_size__tile_overlayer_lowered;
	s7 =	simm.s32 $_tile_overlayer_lowered  }
0xa1: {  	s22 =	simm.s32 $0x1BFF;
	s21 =	sshll.u32 s7, $0x1;
	s4 =	sadd.s32 s19, s18  }
0xa2: {  	s8 =	simm.s32 $0x0;
	s20 =	sshll.u32 s6, $0x1;
	s6 =	sadd.s32 s21, s4  }
0xa3: {  	[timem:s8], [sflag:s22] =	dma.local [hbm:s6], s20  }
0xa4: {  	_ =	swait.ge [sflag:s22], s20  }
0xa5: {  	s5 =	ssub.s32 $0x0, s20;
	[sflag:s22] =	ssyncset.done $0x0  }
0xa6: {  	[sflag:s22] =	ssyncadd.s32 s5;
	_ =	sdelay $0x1  }
0xa7: {  	s23 =	simm.s32 $0x1B8B  }
0xa8: {  	_ =	swait.ge [sflag:s23], $0x1  }
0xa9: {  	[sflag:s23] =	ssyncset.done $0x0  }
0xaa: {  	s25 =	simm.s32 $0x1B8E;
	s24 =	sld [smem:$0x3FFE];
	[sflag:s23] =	ssyncadd.s32 $0xFFFFFFFF  }
0xab: {  	s26 =	simm.s32 $execute0_lowered;
	[smem:$0x3FD2] =	sst s25  }
0xac: {  	s6 =	sshll.u32 s26, $0x1;
	_ =	strace $0x80000049;
	[dreg:$0x1] =	wrdreg $0xFFFFFFFF  }
0xad: {  	s28 =	simm.s32 $_size_execute0_lowered;
	s4 =	sadd.s32 s4, s6;
	[dreg:$0x0] =	wrdreg $0x0  }
0xae: {  	s6 =	sshll.u32 s28, $0x1;
	[dreg:$0x2] =	wrdreg s4  }
0xaf: {  	[dreg:$0x3] =	wrdreg s6  }
0xb0: {  	[dreg:$0x4] =	wrdreg $0xC0  }
0xb1: {  	_ =	task [dreg:s8], $0x5FFFF  }
0xb2: {  	[dreg:$0x1] =	wrdreg $0xFFFFFFFF  }
0xb3: {  	[dreg:$0x0] =	wrdreg $0x60  }
0xb4: {  	[dreg:$0x2] =	wrdreg s24  }
0xb5: {  	[dreg:$0x3] =	wrdreg s15  }
0xb6: {  	[dreg:$0x4] =	wrdreg s16  }
0xb7: {  	[dreg:$0x5] =	wrdreg $0x91800  }
0xb8: {  	[dreg:$0x6] =	wrdreg $0x9  }
0xb9: {  	_ =	task.clear_ibuf [dreg:s8], $0x7FFFF;
	_ =	strace $0x90000049  }
0xba: {  	s29 =	simm.s32 $0x9;
	_ =	strace $0x8000004B  }
0xbb: {  	_ =	swait.ge [sflag:s29], $0x1  }
0xbc: {  	[sflag:s29] =	ssyncadd.s32 $0xFFFFFFFF  }
0xbd: {  	_ =	strace $0x9000004B  }
0xbe: {  	_ =	sfence  }
0xbf: {  	s30 =	sld [smem:$0x0];
	_ =	sdelay $0x2  }
0xc0: {  	s31 =	sshll.u32 s1, $0xD;
	s1 =	sshrl.u32 s1, $0x2  }
0xc1: {  	s3 =	sand.u32 $0x4000, s31;
	s1 =	sadd.s32 s1, s30  }
0xc2: {  	s0 =	sor.u32 s3, s0;
	s1 =	sshll.u32 s1, $0x11  }
0xc3: {  	s0 =	sor.u32 s1, s0  }
0xc4: {  	s0 =	sadd.s32 $0x8F2B, s0  }
0xc5: {  	[sflag:s0] =	ssyncadd.remote.s32 $0x1  }
0xc6: {  	_ =	sfence.sel $0xFFFF  }
0xc7: {  	[dreg:$0x0] =	wrdreg $0xFFFFFFFF;
	(pc) =	sbr.abs _section_cstart, $3  }
0xc8: {  	[dreg:$0x1] =	wrdreg $0xFFFFFFFF  }
0xc9: {  	_ =	task.clear_ibuf [dreg:s8], $0x2FFFF;
	_ =	strace $0x9FFFFFFF  }
0xca: {  	(tm) =	ssettm $0x7FFFFFFF  }
0xcb: {  	_ =	shalt  }
tec
execute0_lowered:
.L_overlay_start_1:
0x0: {  	(tag) =	ssettag $0x1  }
0x1: {  	s4 =	rddreg [dreg:$0x0]  }
0x2: {  	s15 =	rddreg [dreg:$0x1]  }
0x3: {  	s16 =	rddreg [dreg:$0x2]  }
0x4: {  	s2 =	rddreg [dreg:$0x3];
	s3 =	simm.s32 $0x0;
	s1 =	stileid.u32  }
0x5: {  	s5 =	srdreg.scid;
	s21 =	simm.s32 $0x100;
	s22 =	simm.s32 $0x4100  }
0x6: {  	s23 =	simm.s32 $0x3;
	s24 =	simm.s32 $0x2;
	[smem:$0x7FF] =	sst s3  }
0x7: {  	s17 =	sand.u32 $0x1, s5;
	s25 =	sshll.u32 s1, $0x1;
	s6 =	sshll.u32 s1, $0xA  }
0x8: {  	s29 =	sshll.u32 s1, $0xD;
	s30 =	sshll.u32 s1, $0x6;
	s12 =	sadd.s32 $0x200, s15  }
0x9: {  	s8 =	sadd.s32 $0x186800, s16;
	s19 =	sshll.u32 s1, $0xC;
	s20 =	sshll.u32 s1, $0x5  }
0xa: {  	_ =	strace $0x8000004A;
	s7 =	ssub.s32 $0x2, s17;
	s25 =	sor.u32 s17, s25  }
0xb: {  	s26 =	sadd.s32 s6, s4;
	s18 =	sadd.s32 s29, s2;
	s6 =	sor.u32 $0x1C04, s30  }
0xc: {  	s31 =	sshll.u32 s17, $0xB;
	s17 =	sshll.u32 s17, $0x4;
	s28 =	sshrl.u32 s7, $0x1  }
0xd: {  	s10 =	sshll.u32 s25, $0x4;
	s5 =	sadd.s32 $0x2200, s26;
	s13 =	sor.u32 $0x20, s25  }
0xe: {  	s11 =	sshll.u32 s25, $0xB;
	p0 =	sne.s32 s25, $0x1F;
	s9 =	ssub.s32 s7, s28  }
0xf: {  	s4 =	sadd.s32 s15, s10;
	s7 =	sadd.s32 $0x30D0, s15;
	s10 =	sadd.s32 s10, s12  }
0x10: {  	s14 =	sshll.u32 s13, $0x4;
	s11 =	sadd.s32 s16, s11;
	s13 =	sshll.u32 s13, $0xB  }
.Ltmp0:
0x11: {  	s15 =	sadd.s32 s20, s15;
	s20 =	simm.s32 $0x1;
	(pc) =	sbr.rel .LBB2_1-.Ltmp0, $4  }
0x12: {  	s9 =	smax.u32 s9, $0x1;
	s12 =	sadd.s32 s14, s12;
	s13 =	sadd.s32 s16, s13  }
0x13: {  	s14 =	sor.u32 $0x40, s25;
	s16 =	sadd.s32 s19, s16;
	s15 =	sadd.s32 s17, s15  }
0x14: {  	s17 =	sshrl.u32 s18, $0x3;
	s18 =	simm.s32 $0x4;
	s16 =	sadd.s32 s31, s16  }
0x15: {  	s19 =	simm.s32 $0x80;
	s25 =	simm.s32 $0x0;
	s16 =	sadd.s32 $0x20000, s16  }
.LBB2_7:
0x16: {  	_ =	swait.ge [sflag:s23], $0x4000  }
0x17: {  	[sflag:s23] =	ssyncset.done $0x0  }
0x18: {  	[sflag:s23] =	ssyncadd.s32 $0xFFFFC000  }
0x19: {  	_ =	swait.ge [sflag:s23], $0x4000  }
0x1a: {  	s0 =	simm.s32 @!p0 $0x0;
	[sflag:s23] =	ssyncset.done $0x0  }
0x1b: {  	s26 =	simm.s32 @!p0 $0x8100;
	s28 =	simm.s32 @!p0 $0x4;
	[sflag:s23] =	ssyncadd.s32 $0xFFFFC000  }
0x1c: {  	[tilespmem:s26], [sflag:$0x4] =	stream.linear.gather @!p0 [hbm4b:s7+s0], $0x20, $0x38;
	[tilespmem:$0xB180] =	vst v63  }
0x1d: {  	_ =	swait.ge @!p0 [sflag:s28], $0x20  }
0x1e: {  	[sflag:s28] =	ssyncset.done @!p0 $0x0  }
0x1f: {  	s29 =	simm.s32 @!p0 $0x20;
	s30 =	simm.s32 @!p0 $0x8180;
	[sflag:s28] =	ssyncadd.s32 @!p0 $0xFFFFFFE0  }
0x20: {  	[tilespmem:s30], [sflag:$0x2] =	stream.indirect.gather @!p0 [spmem:s2], $0x80, s26, s29, $0xb8;
	[tilespmem:$0xB180] =	vst v63  }
0x21: {  	s26 =	simm.s32 @!p0 $0x2  }
0x22: {  	s25 =	sadd.s32 $0x1, s25;
	_ =	swait.ge @!p0 [sflag:s26], $0x1000  }
0x23: {  	p1 =	sne.s32 s25, s9;
	[sflag:s26] =	ssyncset.done @!p0 $0x0  }
.Ltmp1:
0x24: {  	[sflag:s26] =	ssyncadd.s32 @!p0 $0xFFFFF000;
	(pc) =	sbr.rel @!p1 .LBB2_8-.Ltmp1, $4  }
0x25: {  	[hbm4b:s8+s0] =	stream.linear.scatter @!p0 [tilespmem:s30], [sflag:$0x4], $0x1000, $0x38;
	[tilespmem:$0xB180] =	vst v63  }
0x26: {  	_ =	swait.ge @!p0 [sflag:s28], $0x1000  }
0x27: {  	[sflag:s28] =	ssyncset.done @!p0 $0x0  }
0x28: {  	[sflag:s28] =	ssyncadd.s32 @!p0 $0xFFFFF000  }
.LBB2_1:
0x29: {  	[tilespmem:s3], [sflag:$0x1] =	stream.linear.gather [hbm4b:s4+s3], $0x80, $0x38;
	[tilespmem:$0xB180] =	vst v63  }
0x2a: {  	[spmem:s17], [sflag:s6] =	dma.local [hbm:s5], $0x400  }
0x2b: {  	_ =	swait.ge [sflag:s18], $0x400  }
0x2c: {  	[sflag:s18] =	ssyncset.done $0x0  }
0x2d: {  	[sflag:s18] =	ssyncadd.s32 $0xFFFFFC00  }
0x2e: {  	[bflag:$0x0] =	sbarrier.arrive $0xFFFF  }
0x2f: {  	[tilespmem:s19], [sflag:$0x1] =	stream.linear.gather [hbm4b:s10+s3], $0x80, $0x38;
	[tilespmem:$0xB180] =	vst v63  }
0x30: {  	_ =	swait.ge [sflag:s20], $0x80  }
0x31: {  	[sflag:s20] =	ssyncset.done $0x0  }
0x32: {  	[sflag:s20] =	ssyncadd.s32 $0xFFFFFF80  }
0x33: {  	[tilespmem:s21], [sflag:$0x2] =	stream.indirect.gather [spmem:s2], $0x80, s3, s19, $0xb8;
	[tilespmem:$0xB180] =	vst v63  }
0x34: {  	_ =	swait.ge [sflag:s24], $0x4000  }
0x35: {  	[sflag:s24] =	ssyncset.done $0x0  }
0x36: {  	[sflag:s24] =	ssyncadd.s32 $0xFFFFC000  }
0x37: {  	[hbm4b:s11+s3] =	stream.linear.scatter [tilespmem:s21], [sflag:$0x3], $0x4000, $0x38;
	[tilespmem:$0xB180] =	vst v63  }
0x38: {  	_ = 	snop  }
0x39: {  	[tilespmem:s3], [sflag:$0x1] =	stream.linear.gather [hbm4b:s12+s3], $0x80, $0x38;
	[tilespmem:$0xB180] =	vst v63  }
0x3a: {  	_ =	swait.ge [sflag:s20], $0x80  }
0x3b: {  	[sflag:s20] =	ssyncset.done $0x0  }
0x3c: {  	[sflag:s20] =	ssyncadd.s32 $0xFFFFFF80  }
0x3d: {  	[tilespmem:s22], [sflag:$0x2] =	stream.indirect.gather [spmem:s2], $0x80, s19, s19, $0xb8;
	[tilespmem:$0xB180] =	vst v63  }
.Ltmp2:
0x3e: {  	_ = 	snop;
	(pc) =	sbr.rel .LBB2_2-.Ltmp2, $4  }
0x3f: {  	_ =	swait.ge [sflag:s24], $0x4000  }
0x40: {  	s26 =	simm.s32 $0x600;
	s28 =	smov.u32 s16;
	[sflag:s24] =	ssyncset.done $0x0  }
0x41: {  	s29 =	smov.u32 s14;
	s30 =	simm.s32 $0x2;
	[sflag:s24] =	ssyncadd.s32 $0xFFFFC000  }
0x42: {  	[hbm4b:s13+s3] =	stream.linear.scatter [tilespmem:s22], [sflag:$0x3], $0x4000, $0x38;
	[tilespmem:$0xB180] =	vst v63  }
.LBB2_3:
0x43: {  	s31 =	sand.u32 $0x200, s26  }
0x44: {  	s0 =	sadd.s32 s26, s15;
	s31 =	sshrl.u32 s31, $0x2  }
0x45: {  	[tilespmem:s31], [sflag:$0x1] =	stream.linear.gather [hbm4b:s0+s3], $0x80, $0x38;
	[tilespmem:$0xB180] =	vst v63  }
.LBB2_5:
0x46: {  	_ =	swait.ge [sflag:s23], $0x4000  }
0x47: {  	[sflag:s23] =	ssyncset.done $0x0  }
0x48: {  	[sflag:s23] =	ssyncadd.s32 $0xFFFFC000  }
0x49: {  	s0 =	sand.u32 $0x1, s30;
	_ =	swait.ge [sflag:s20], $0x80  }
0x4a: {  	s31 =	sshll.u32 s0, $0xE;
	[sflag:s20] =	ssyncset.done $0x0  }
0x4b: {  	s0 =	sshll.u32 s0, $0x7;
	s31 =	sor.u32 $0x100, s31;
	[sflag:s20] =	ssyncadd.s32 $0xFFFFFF80  }
0x4c: {  	[tilespmem:s31], [sflag:$0x2] =	stream.indirect.gather [spmem:s2], $0x80, s0, s19, $0xb8;
	[tilespmem:$0xB180] =	vst v63  }
0x4d: {  	_ =	swait.ge [sflag:s24], $0x4000  }
0x4e: {  	[sflag:s24] =	ssyncset.done $0x0  }
0x4f: {  	[sflag:s24] =	ssyncadd.s32 $0xFFFFC000  }
0x50: {  	[hbm4b:s28+s3] =	stream.linear.scatter [tilespmem:s31], [sflag:$0x3], $0x4000, $0x38;
	[tilespmem:$0xB180] =	vst v63  }
.LBB2_6:
0x51: {  	s30 =	sadd.s32 $0x1, s30  }
0x52: {  	p1 =	sne.s32 s30, $0x19  }
.Ltmp3:
0x53: {  	_ = 	snop;
	(pc) =	sbr.rel @!p1 .LBB2_7-.Ltmp3, $2  }
0x54: {  	_ =	sdelay $0x2  }
0x55: {  	s26 =	sadd.s32 $0x200, s26;
	s29 =	sadd.s32 $0x20, s29;
	s28 =	sadd.s32 $0x10000, s28  }
.LBB2_2:
0x56: {  	p1 =	sgt.u32 s29, $0x2EC  }
.Ltmp4:
0x57: {  	_ = 	snop;
	(pc) =	sbr.rel @!p1 .LBB2_3-.Ltmp4, $1  }
0x58: {  	_ =	sdelay $0x3  }
0x59: {  	p1 =	sgt.u32 s29, $0x30C  }
.Ltmp5:
0x5a: {  	_ = 	snop;
	(pc) =	sbr.rel @p1 .LBB2_6-.Ltmp5, $4  }
.Ltmp6:
0x5b: {  	_ = 	snop;
	(pc) =	sbr.rel @!p1 .LBB2_5-.Ltmp6, $4  }
0x5c: {  	_ = 	snop  }
0x5d: {  	_ = 	snop  }
0x5e: {  	_ = 	snop  }
0x5f: {  	_ = 	snop  }
.LBB2_8:
0x60: {  	_ =	sfence.sel $0x180000  }
0x61: {  	[bflag:$0x0] =	sbarrier.arrive $0xFFFF  }
0x62: {  	_ =	strace $0x9000004A  }
0x63: {  	[bflag:$0x2] =	sbarrier.arrive $0xFFFF  }
0x64: {  	p0 =	sne.s32 s1, $0x0;
	s0 =	rddreg [dreg:$0x4]  }
0x65: {  	s0 =	sadd.s32 @!p0 $0x100000, s0  }
0x66: {  	[sflag:s0] =	ssyncadd.tile.s32 @!p0 $0x1;
	_ =	shalt  }
.Lfunc_end2:
_tile_overlayer_lowered:
.L_overlay_start_2:
0x67: {  	(tag) =	ssettag $0x2  }
0x68: {  	s0 =	rddreg [dreg:$0x0];
	s2 =	stileid.u32  }
0x69: {  	s1 =	rddreg [dreg:$0x1];
	p0 =	sne.s32 s2, $0x0  }
0x6a: {  	s3 =	rddreg [dreg:$0x2];
	[bflag:$0x3] =	sbarrier.arrive $0xFFFF;
	s2 =	simm.s32 @!p0 $0x1C04  }
0x6b: {  	[timem:s3], [sflag:s2] =	dma.local @!p0 [hbm:s0], s1  }
0x6c: {  	s0 =	simm.s32 @!p0 $0x4  }
0x6d: {  	_ =	swait.ge @!p0 [sflag:s0], s1  }
0x6e: {  	s1 =	ssub.s32 @!p0 $0x0, s1;
	[sflag:s0] =	ssyncset.done @!p0 $0x0  }
0x6f: {  	[sflag:s0] =	ssyncadd.s32 @!p0 s1  }
0x70: {  	[bflag:$0x3] =	sbarrier.arrive $0xFFFF  }
0x71: {  	_ =	shalt  }

</sc_bundles>
